<compile_context>
chip_gen: v7x
topology: tpu7x:2x2x1
jax: 0.10.2.dev20260603
libtpu: 0.0.44.dev20260713+nightly
codegen_flags: <defaults>
</compile_context>

<pallas_src>
import functools

import jax
import jax.numpy as jnp
from jax import lax
from jax.experimental import pallas as pl
from jax.experimental.pallas import tpu as pltpu
from jax.experimental.pallas import tpu_sc as plsc

N = 4194304
K = 65536
H = 256

NC = 2
NS = 16
L = 16
NW = NC * NS

PER_TILE = N // NW
CHUNK = 16384
NCHUNK = PER_TILE // CHUNK


def _hist_body(c_hbm, h_hbm, parts_c_hbm, parts_ch_hbm,
               buf0, buf1, hist, sem0, sem1, wsem):
    cidx = lax.axis_index("c")
    sidx = lax.axis_index("s")
    wid = cidx * NS + sidx

    bufs = (buf0, buf1)
    sems = (sem0, sem1)
    z16 = jnp.zeros((L,), jnp.int32)
    ones = jnp.ones((L,), jnp.int32)

    def _zero_hist():
        @plsc.parallel_loop(0, K // L, 1, unroll=8)
        def _(i):
            hist[pl.ds(i * L, L)] = z16

    base = wid * PER_TILE

    def _start(src_hbm, ci, b):
        pltpu.async_copy(
            src_hbm.at[pl.ds(base + ci * CHUNK, CHUNK)], bufs[b], sems[b])

    def _wait(b):
        pltpu.make_async_copy(
            c_hbm.at[pl.ds(0, CHUNK)], bufs[b], sems[b]).wait()

    def _phase(src_hbm, next_src_hbm):
        for ci in range(NCHUNK):
            b = ci % 2
            if ci + 1 < NCHUNK:
                _start(src_hbm, ci + 1, 1 - b)
            elif next_src_hbm is not None:
                _start(next_src_hbm, 0, 1 - b)
            _wait(b)
            buf = bufs[b]

            @plsc.parallel_loop(0, CHUNK // L, 1, unroll=8)
            def _(i):
                idx = buf[pl.ds(i * L, L)]
                plsc.addupdate_scatter(hist, [idx], ones)

    def _write_parts(parts_hbm):
        for j in range(K // BK):
            pltpu.async_copy(hist.at[pl.ds(j * BK, BK)],
                             parts_hbm.at[pl.ds(j * (NW * BK) + wid * BK, BK)],
                             wsem)
        for j in range(K // BK):
            pltpu.make_async_copy(hist.at[pl.ds(0, BK)],
                                  parts_hbm.at[pl.ds(0, BK)], wsem).wait()

    _start(c_hbm, 0, 0)
    _zero_hist()
    _phase(c_hbm, h_hbm)
    _write_parts(parts_c_hbm)
    _phase(h_hbm, None)
    _write_parts(parts_ch_hbm)


_hist_kernel = functools.partial(
    pl.kernel,
    out_type=(jax.ShapeDtypeStruct((NW * K,), jnp.int32),
              jax.ShapeDtypeStruct((NW * K,), jnp.int32)),
    mesh=plsc.VectorSubcoreMesh(core_axis_name="c", subcore_axis_name="s",
                                num_cores=NC, num_subcores=NS),
    scratch_types=[
        pltpu.VMEM((CHUNK,), jnp.int32),
        pltpu.VMEM((CHUNK,), jnp.int32),
        pltpu.VMEM((K,), jnp.int32),
        pltpu.SemaphoreType.DMA,
        pltpu.SemaphoreType.DMA,
        pltpu.SemaphoreType.DMA,
    ],
    compiler_params=pltpu.CompilerParams(needs_layout_passes=False),
)(_hist_body)


BK = 8192


def _mlp_body(pc_ref, pch_ref, w1a_ref, w2_ref, b2_ref, out_ref):
    c_i32 = pc_ref[pl.ds(0, BK)]
    ch_i32 = pch_ref[pl.ds(0, BK)]
    for w in range(1, NW):
        c_i32 = c_i32 + pc_ref[pl.ds(w * BK, BK)]
        ch_i32 = ch_i32 + pch_ref[pl.ds(w * BK, BK)]
    c_cnt = c_i32.astype(jnp.float32).reshape(1, BK)
    h_cnt = (ch_i32 - c_i32).astype(jnp.float32).reshape(1, BK)
    ones_row = jnp.ones((1, BK), jnp.float32)
    xaug = jnp.concatenate([c_cnt, h_cnt, ones_row], axis=0)
    pre = lax.dot_general(w1a_ref[...], xaug.astype(jnp.bfloat16),
                          (((1,), (0,)), ((), ())),
                          preferred_element_type=jnp.float32)
    hid = jnp.maximum(pre, 0.0)
    out = lax.dot_general(w2_ref[...], hid, (((0,), (0,)), ((), ())),
                          preferred_element_type=jnp.float32)
    out_ref[...] = out + b2_ref[...]


def kernel(C_group, H_group, W1, b1, W2, b2):
    parts_c, parts_ch = _hist_kernel(C_group, H_group)
    out = pl.pallas_call(
        _mlp_body,
        grid=(K // BK,),
        in_specs=[
            pl.BlockSpec((NW * BK,), lambda i: (i,)),
            pl.BlockSpec((NW * BK,), lambda i: (i,)),
            pl.BlockSpec((H, 3), lambda i: (0, 0)),
            pl.BlockSpec((H, 1), lambda i: (0, 0)),
            pl.BlockSpec((1, 1), lambda i: (0, 0)),
        ],
        out_specs=pl.BlockSpec((1, BK), lambda i: (0, i)),
        out_shape=jax.ShapeDtypeStruct((1, K), jnp.float32),
    )(parts_c, parts_ch,
      jnp.concatenate([W1.T, b1.reshape(H, 1)], axis=1).astype(jnp.bfloat16),
      W2, b2.reshape(1, 1))
    return out.reshape(-1)

# --- scband reference (transcript-rebuilt; emitter-appended) ---
"""Pipeline reference for scband-mlpmodel-75677323755531 (READ-ONLY COPY).

The authoritative reference and input builder live on the scoring server;
editing this copy changes nothing except your own understanding.
"""

import jax, jax.numpy as jnp
import numpy as np

N = 4194304
K = 65536
H = 256

def setup_inputs(seed: int = 0) -> dict:
    key = jax.random.key(seed)
    k1, k2, k3, k4 = jax.random.split(key, 4)
    C_group = jax.random.randint(k1, (N,), 0, K, dtype=jnp.int64 if jax.config.jax_enable_x64 else jnp.int32).astype(jnp.int32)
    H_group = jax.random.randint(k2, (N,), 0, K, dtype=jnp.int64 if jax.config.jax_enable_x64 else jnp.int32).astype(jnp.int32)
    W1 = jax.random.normal(k3, (2, H), dtype=jnp.float32) * 0.1
    b1 = jnp.zeros((H,), dtype=jnp.float32)
    W2 = jax.random.normal(k4, (H, 1), dtype=jnp.float32) * 0.1
    b2 = jnp.zeros((1,), dtype=jnp.float32)
    return {"C_group": C_group, "H_group": H_group, "W1": W1, "b1": b1, "W2": W2, "b2": b2}

def reference(C_group, H_group, W1, b1, W2, b2):
    # torch.unique(..., sorted=True, return_counts=True)[1]
    # With N >> K every bin is present w.h.p., so unique counts over sorted
    # values equal the per-bin histogram counts.
    C_counts = jnp.unique(C_group, return_counts=True, size=K)[1]
    H_counts = jnp.unique(H_group, return_counts=True, size=K)[1]
    x = jnp.concatenate([C_counts[:, None], H_counts[:, None]], axis=1).astype(jnp.float32)
    h = jnp.maximum(x @ W1 + b1, 0.0)
    out = (h @ W2 + b2).reshape(-1)
    return out

if __name__ == "__main__":
    import jax
    _d = setup_inputs()
    print(jax.jit(kernel)(*tuple(_d.values())))

</pallas_src>

<mosaic_0001>
#map = affine_map<(d0, d1) -> (0)>
module attributes {stable_mosaic.version = 14 : i64} {
  func.func @_hist_body(%arg0: i32, %arg1: i32, %arg2: memref<4194304xi32, #tpu.memory_space<hbm>>, %arg3: memref<4194304xi32, #tpu.memory_space<hbm>>, %arg4: memref<2097152xi32, #tpu.memory_space<hbm>>, %arg5: memref<2097152xi32, #tpu.memory_space<hbm>>, %arg6: memref<16384xi32, #tpu.memory_space<vmem>>, %arg7: memref<16384xi32, #tpu.memory_space<vmem>>, %arg8: memref<65536xi32, #tpu.memory_space<vmem>>, %arg9: memref<!tpu.dma_semaphore, #tpu.memory_space<semaphore_mem>>, %arg10: memref<!tpu.dma_semaphore, #tpu.memory_space<semaphore_mem>>, %arg11: memref<!tpu.dma_semaphore, #tpu.memory_space<semaphore_mem>>) attributes {dimension_semantics = [#tpu.dimension_semantics<core_parallel>, #tpu.dimension_semantics<subcore_parallel>], iteration_bounds = array<i64: 2, 16>, scalar_prefetch = 0 : i64, scratch_operands = 6 : i64, tpu.core_type = #tpu.core_type<sc_vector_subcore>, window_params = [{transform_indices = #map}, {transform_indices = #map}, {transform_indices = #map}, {transform_indices = #map}]} {
    %mul3A = arith.constant 16 : i32
    %mul3A_0 = arith.muli %arg0, %mul3A : i32
    %add3A = arith.addi %mul3A_0, %arg1 : i32
    %broadcast_in_dim3A = arith.constant 0 : i32
    %broadcast_in_dim3A_1 = vector.broadcast %broadcast_in_dim3A : i32 to vector<16xi32>
    %broadcast_in_dim3A_2 = arith.constant 1 : i32
    %broadcast_in_dim3A_3 = vector.broadcast %broadcast_in_dim3A_2 : i32 to vector<16xi32>
    %mul3A_4 = arith.constant 131072 : i32
    %mul3A_5 = arith.muli %add3A, %mul3A_4 : i32
    %add3A_6 = arith.constant 0 : i32
    %add3A_7 = arith.addi %mul3A_5, %add3A_6 : i32
    %dma_start3A = tpu.memref_slice %arg2[%add3A_7] : memref<4194304xi32, #tpu.memory_space<hbm>> -> memref<16384xi32, #tpu.memory_space<hbm>>
    %dma_start3A_8 = tpu.memref_slice %arg2[%add3A_7] : memref<4194304xi32, #tpu.memory_space<hbm>> -> memref<16384xi32, #tpu.memory_space<hbm>>
    tpu.enqueue_dma source(%dma_start3A_8 : memref<16384xi32, #tpu.memory_space<hbm>>) target(%arg6 : memref<16384xi32, #tpu.memory_space<vmem>>) target_semaphore(%arg9 : memref<!tpu.dma_semaphore, #tpu.memory_space<semaphore_mem>>)
    %parallel_loop3A = arith.constant 0 : i32
    %parallel_loop3A_9 = arith.constant 4096 : i32
    %parallel_loop3A_10 = arith.constant 1 : i32
    scf.for %parallel_loop3A_470 = %parallel_loop3A to %parallel_loop3A_9 step %parallel_loop3A_10  : i32 {
      %parallel_loop3A_471 = arith.constant 16 : i32
      %parallel_loop3A_472 = arith.muli %parallel_loop3A_470, %parallel_loop3A_471 : i32
      %parallel_loop3A_473 = arith.index_cast %parallel_loop3A_472 : i32 to index
      %parallel_loop3A_474 = tpu.vector_load %arg8[%parallel_loop3A_473] {strides = array<i32>} : memref<65536xi32, #tpu.memory_space<vmem>>, vector<16xi32>,
      tpu.vector_store %arg8[%parallel_loop3A_473], %broadcast_in_dim3A_1 {strides = array<i32>} : memref<65536xi32, #tpu.memory_space<vmem>>, vector<16xi32>,
    } {sc.loop_unroll_factor = 8 : i64, sc.parallel_access}
    %add3A_11 = arith.constant 16384 : i32
    %add3A_12 = arith.addi %mul3A_5, %add3A_11 : i32
    %dma_start3A_13 = tpu.memref_slice %arg2[%add3A_12] : memref<4194304xi32, #tpu.memory_space<hbm>> -> memref<16384xi32, #tpu.memory_space<hbm>>
    %dma_start3A_14 = tpu.memref_slice %arg2[%add3A_12] : memref<4194304xi32, #tpu.memory_space<hbm>> -> memref<16384xi32, #tpu.memory_space<hbm>>
    tpu.enqueue_dma source(%dma_start3A_14 : memref<16384xi32, #tpu.memory_space<hbm>>) target(%arg7 : memref<16384xi32, #tpu.memory_space<vmem>>) target_semaphore(%arg10 : memref<!tpu.dma_semaphore, #tpu.memory_space<semaphore_mem>>)
    %dma_wait3A = arith.constant 0 : i32
    %dma_wait3A_15 = tpu.memref_slice %arg2[%dma_wait3A] : memref<4194304xi32, #tpu.memory_space<hbm>> -> memref<16384xi32, #tpu.memory_space<hbm>>
    %dma_wait3A_16 = arith.constant 0 : i32
    %dma_wait3A_17 = tpu.memref_slice %arg2[%dma_wait3A_16] : memref<4194304xi32, #tpu.memory_space<hbm>> -> memref<16384xi32, #tpu.memory_space<hbm>>
    tpu.wait_dma2 semaphore(%arg9 : memref<!tpu.dma_semaphore, #tpu.memory_space<semaphore_mem>>) src(%dma_wait3A_17 : memref<16384xi32, #tpu.memory_space<hbm>>) dst(%arg6 : memref<16384xi32, #tpu.memory_space<vmem>>)
    %parallel_loop3A_18 = arith.constant 0 : i32
    %parallel_loop3A_19 = arith.constant 1024 : i32
    %parallel_loop3A_20 = arith.constant 1 : i32
    scf.for %parallel_loop3A_470 = %parallel_loop3A_18 to %parallel_loop3A_19 step %parallel_loop3A_20  : i32 {
      %parallel_loop3A_471 = arith.constant 16 : i32
      %parallel_loop3A_472 = arith.muli %parallel_loop3A_470, %parallel_loop3A_471 : i32
      %parallel_loop3A_473 = arith.index_cast %parallel_loop3A_472 : i32 to index
      %parallel_loop3A_474 = tpu.vector_load %arg6[%parallel_loop3A_473] {strides = array<i32>} : memref<16384xi32, #tpu.memory_space<vmem>>, vector<16xi32>,
      tpu.vector_store_idx %arg8[%parallel_loop3A_474], %broadcast_in_dim3A_3 {add = true} : memref<65536xi32, #tpu.memory_space<vmem>>[vector<16xi32>], vector<16xi32>,
    } {sc.loop_unroll_factor = 8 : i64, sc.parallel_access}
    %add3A_21 = arith.constant 32768 : i32
    %add3A_22 = arith.addi %mul3A_5, %add3A_21 : i32
    %dma_start3A_23 = tpu.memref_slice %arg2[%add3A_22] : memref<4194304xi32, #tpu.memory_space<hbm>> -> memref<16384xi32, #tpu.memory_space<hbm>>
    %dma_start3A_24 = tpu.memref_slice %arg2[%add3A_22] : memref<4194304xi32, #tpu.memory_space<hbm>> -> memref<16384xi32, #tpu.memory_space<hbm>>
    tpu.enqueue_dma source(%dma_start3A_24 : memref<16384xi32, #tpu.memory_space<hbm>>) target(%arg6 : memref<16384xi32, #tpu.memory_space<vmem>>) target_semaphore(%arg9 : memref<!tpu.dma_semaphore, #tpu.memory_space<semaphore_mem>>)
    %dma_wait3A_25 = arith.constant 0 : i32
    %dma_wait3A_26 = tpu.memref_slice %arg2[%dma_wait3A_25] : memref<4194304xi32, #tpu.memory_space<hbm>> -> memref<16384xi32, #tpu.memory_space<hbm>>
    %dma_wait3A_27 = arith.constant 0 : i32
    %dma_wait3A_28 = tpu.memref_slice %arg2[%dma_wait3A_27] : memref<4194304xi32, #tpu.memory_space<hbm>> -> memref<16384xi32, #tpu.memory_space<hbm>>
    tpu.wait_dma2 semaphore(%arg10 : memref<!tpu.dma_semaphore, #tpu.memory_space<semaphore_mem>>) src(%dma_wait3A_28 : memref<16384xi32, #tpu.memory_space<hbm>>) dst(%arg7 : memref<16384xi32, #tpu.memory_space<vmem>>)
    %parallel_loop3A_29 = arith.constant 0 : i32
    %parallel_loop3A_30 = arith.constant 1024 : i32
    %parallel_loop3A_31 = arith.constant 1 : i32
    scf.for %parallel_loop3A_470 = %parallel_loop3A_29 to %parallel_loop3A_30 step %parallel_loop3A_31  : i32 {
      %parallel_loop3A_471 = arith.constant 16 : i32
      %parallel_loop3A_472 = arith.muli %parallel_loop3A_470, %parallel_loop3A_471 : i32
      %parallel_loop3A_473 = arith.index_cast %parallel_loop3A_472 : i32 to index
      %parallel_loop3A_474 = tpu.vector_load %arg7[%parallel_loop3A_473] {strides = array<i32>} : memref<16384xi32, #tpu.memory_space<vmem>>, vector<16xi32>,
      tpu.vector_store_idx %arg8[%parallel_loop3A_474], %broadcast_in_dim3A_3 {add = true} : memref<65536xi32, #tpu.memory_space<vmem>>[vector<16xi32>], vector<16xi32>,
    } {sc.loop_unroll_factor = 8 : i64, sc.parallel_access}
    %add3A_32 = arith.constant 49152 : i32
    %add3A_33 = arith.addi %mul3A_5, %add3A_32 : i32
    %dma_start3A_34 = tpu.memref_slice %arg2[%add3A_33] : memref<4194304xi32, #tpu.memory_space<hbm>> -> memref<16384xi32, #tpu.memory_space<hbm>>
    %dma_start3A_35 = tpu.memref_slice %arg2[%add3A_33] : memref<4194304xi32, #tpu.memory_space<hbm>> -> memref<16384xi32, #tpu.memory_space<hbm>>
    tpu.enqueue_dma source(%dma_start3A_35 : memref<16384xi32, #tpu.memory_space<hbm>>) target(%arg7 : memref<16384xi32, #tpu.memory_space<vmem>>) target_semaphore(%arg10 : memref<!tpu.dma_semaphore, #tpu.memory_space<semaphore_mem>>)
    %dma_wait3A_36 = arith.constant 0 : i32
    %dma_wait3A_37 = tpu.memref_slice %arg2[%dma_wait3A_36] : memref<4194304xi32, #tpu.memory_space<hbm>> -> memref<16384xi32, #tpu.memory_space<hbm>>
    %dma_wait3A_38 = arith.constant 0 : i32
    %dma_wait3A_39 = tpu.memref_slice %arg2[%dma_wait3A_38] : memref<4194304xi32, #tpu.memory_space<hbm>> -> memref<16384xi32, #tpu.memory_space<hbm>>
    tpu.wait_dma2 semaphore(%arg9 : memref<!tpu.dma_semaphore, #tpu.memory_space<semaphore_mem>>) src(%dma_wait3A_39 : memref<16384xi32, #tpu.memory_space<hbm>>) dst(%arg6 : memref<16384xi32, #tpu.memory_space<vmem>>)
    %parallel_loop3A_40 = arith.constant 0 : i32
    %parallel_loop3A_41 = arith.constant 1024 : i32
    %parallel_loop3A_42 = arith.constant 1 : i32
    scf.for %parallel_loop3A_470 = %parallel_loop3A_40 to %parallel_loop3A_41 step %parallel_loop3A_42  : i32 {
      %parallel_loop3A_471 = arith.constant 16 : i32
      %parallel_loop3A_472 = arith.muli %parallel_loop3A_470, %parallel_loop3A_471 : i32
      %parallel_loop3A_473 = arith.index_cast %parallel_loop3A_472 : i32 to index
      %parallel_loop3A_474 = tpu.vector_load %arg6[%parallel_loop3A_473] {strides = array<i32>} : memref<16384xi32, #tpu.memory_space<vmem>>, vector<16xi32>,
      tpu.vector_store_idx %arg8[%parallel_loop3A_474], %broadcast_in_dim3A_3 {add = true} : memref<65536xi32, #tpu.memory_space<vmem>>[vector<16xi32>], vector<16xi32>,
    } {sc.loop_unroll_factor = 8 : i64, sc.parallel_access}
    %add3A_43 = arith.constant 65536 : i32
    %add3A_44 = arith.addi %mul3A_5, %add3A_43 : i32
    %dma_start3A_45 = tpu.memref_slice %arg2[%add3A_44] : memref<4194304xi32, #tpu.memory_space<hbm>> -> memref<16384xi32, #tpu.memory_space<hbm>>
    %dma_start3A_46 = tpu.memref_slice %arg2[%add3A_44] : memref<4194304xi32, #tpu.memory_space<hbm>> -> memref<16384xi32, #tpu.memory_space<hbm>>
    tpu.enqueue_dma source(%dma_start3A_46 : memref<16384xi32, #tpu.memory_space<hbm>>) target(%arg6 : memref<16384xi32, #tpu.memory_space<vmem>>) target_semaphore(%arg9 : memref<!tpu.dma_semaphore, #tpu.memory_space<semaphore_mem>>)
    %dma_wait3A_47 = arith.constant 0 : i32
    %dma_wait3A_48 = tpu.memref_slice %arg2[%dma_wait3A_47] : memref<4194304xi32, #tpu.memory_space<hbm>> -> memref<16384xi32, #tpu.memory_space<hbm>>
    %dma_wait3A_49 = arith.constant 0 : i32
    %dma_wait3A_50 = tpu.memref_slice %arg2[%dma_wait3A_49] : memref<4194304xi32, #tpu.memory_space<hbm>> -> memref<16384xi32, #tpu.memory_space<hbm>>
    tpu.wait_dma2 semaphore(%arg10 : memref<!tpu.dma_semaphore, #tpu.memory_space<semaphore_mem>>) src(%dma_wait3A_50 : memref<16384xi32, #tpu.memory_space<hbm>>) dst(%arg7 : memref<16384xi32, #tpu.memory_space<vmem>>)
    %parallel_loop3A_51 = arith.constant 0 : i32
    %parallel_loop3A_52 = arith.constant 1024 : i32
    %parallel_loop3A_53 = arith.constant 1 : i32
    scf.for %parallel_loop3A_470 = %parallel_loop3A_51 to %parallel_loop3A_52 step %parallel_loop3A_53  : i32 {
      %parallel_loop3A_471 = arith.constant 16 : i32
      %parallel_loop3A_472 = arith.muli %parallel_loop3A_470, %parallel_loop3A_471 : i32
      %parallel_loop3A_473 = arith.index_cast %parallel_loop3A_472 : i32 to index
      %parallel_loop3A_474 = tpu.vector_load %arg7[%parallel_loop3A_473] {strides = array<i32>} : memref<16384xi32, #tpu.memory_space<vmem>>, vector<16xi32>,
      tpu.vector_store_idx %arg8[%parallel_loop3A_474], %broadcast_in_dim3A_3 {add = true} : memref<65536xi32, #tpu.memory_space<vmem>>[vector<16xi32>], vector<16xi32>,
    } {sc.loop_unroll_factor = 8 : i64, sc.parallel_access}
    %add3A_54 = arith.constant 81920 : i32
    %add3A_55 = arith.addi %mul3A_5, %add3A_54 : i32
    %dma_start3A_56 = tpu.memref_slice %arg2[%add3A_55] : memref<4194304xi32, #tpu.memory_space<hbm>> -> memref<16384xi32, #tpu.memory_space<hbm>>
    %dma_start3A_57 = tpu.memref_slice %arg2[%add3A_55] : memref<4194304xi32, #tpu.memory_space<hbm>> -> memref<16384xi32, #tpu.memory_space<hbm>>
    tpu.enqueue_dma source(%dma_start3A_57 : memref<16384xi32, #tpu.memory_space<hbm>>) target(%arg7 : memref<16384xi32, #tpu.memory_space<vmem>>) target_semaphore(%arg10 : memref<!tpu.dma_semaphore, #tpu.memory_space<semaphore_mem>>)
    %dma_wait3A_58 = arith.constant 0 : i32
    %dma_wait3A_59 = tpu.memref_slice %arg2[%dma_wait3A_58] : memref<4194304xi32, #tpu.memory_space<hbm>> -> memref<16384xi32, #tpu.memory_space<hbm>>
    %dma_wait3A_60 = arith.constant 0 : i32
    %dma_wait3A_61 = tpu.memref_slice %arg2[%dma_wait3A_60] : memref<4194304xi32, #tpu.memory_space<hbm>> -> memref<16384xi32, #tpu.memory_space<hbm>>
    tpu.wait_dma2 semaphore(%arg9 : memref<!tpu.dma_semaphore, #tpu.memory_space<semaphore_mem>>) src(%dma_wait3A_61 : memref<16384xi32, #tpu.memory_space<hbm>>) dst(%arg6 : memref<16384xi32, #tpu.memory_space<vmem>>)
    %parallel_loop3A_62 = arith.constant 0 : i32
    %parallel_loop3A_63 = arith.constant 1024 : i32
    %parallel_loop3A_64 = arith.constant 1 : i32
    scf.for %parallel_loop3A_470 = %parallel_loop3A_62 to %parallel_loop3A_63 step %parallel_loop3A_64  : i32 {
      %parallel_loop3A_471 = arith.constant 16 : i32
      %parallel_loop3A_472 = arith.muli %parallel_loop3A_470, %parallel_loop3A_471 : i32
      %parallel_loop3A_473 = arith.index_cast %parallel_loop3A_472 : i32 to index
      %parallel_loop3A_474 = tpu.vector_load %arg6[%parallel_loop3A_473] {strides = array<i32>} : memref<16384xi32, #tpu.memory_space<vmem>>, vector<16xi32>,
      tpu.vector_store_idx %arg8[%parallel_loop3A_474], %broadcast_in_dim3A_3 {add = true} : memref<65536xi32, #tpu.memory_space<vmem>>[vector<16xi32>], vector<16xi32>,
    } {sc.loop_unroll_factor = 8 : i64, sc.parallel_access}
    %add3A_65 = arith.constant 98304 : i32
    %add3A_66 = arith.addi %mul3A_5, %add3A_65 : i32
    %dma_start3A_67 = tpu.memref_slice %arg2[%add3A_66] : memref<4194304xi32, #tpu.memory_space<hbm>> -> memref<16384xi32, #tpu.memory_space<hbm>>
    %dma_start3A_68 = tpu.memref_slice %arg2[%add3A_66] : memref<4194304xi32, #tpu.memory_space<hbm>> -> memref<16384xi32, #tpu.memory_space<hbm>>
    tpu.enqueue_dma source(%dma_start3A_68 : memref<16384xi32, #tpu.memory_space<hbm>>) target(%arg6 : memref<16384xi32, #tpu.memory_space<vmem>>) target_semaphore(%arg9 : memref<!tpu.dma_semaphore, #tpu.memory_space<semaphore_mem>>)
    %dma_wait3A_69 = arith.constant 0 : i32
    %dma_wait3A_70 = tpu.memref_slice %arg2[%dma_wait3A_69] : memref<4194304xi32, #tpu.memory_space<hbm>> -> memref<16384xi32, #tpu.memory_space<hbm>>
    %dma_wait3A_71 = arith.constant 0 : i32
    %dma_wait3A_72 = tpu.memref_slice %arg2[%dma_wait3A_71] : memref<4194304xi32, #tpu.memory_space<hbm>> -> memref<16384xi32, #tpu.memory_space<hbm>>
    tpu.wait_dma2 semaphore(%arg10 : memref<!tpu.dma_semaphore, #tpu.memory_space<semaphore_mem>>) src(%dma_wait3A_72 : memref<16384xi32, #tpu.memory_space<hbm>>) dst(%arg7 : memref<16384xi32, #tpu.memory_space<vmem>>)
    %parallel_loop3A_73 = arith.constant 0 : i32
    %parallel_loop3A_74 = arith.constant 1024 : i32
    %parallel_loop3A_75 = arith.constant 1 : i32
    scf.for %parallel_loop3A_470 = %parallel_loop3A_73 to %parallel_loop3A_74 step %parallel_loop3A_75  : i32 {
      %parallel_loop3A_471 = arith.constant 16 : i32
      %parallel_loop3A_472 = arith.muli %parallel_loop3A_470, %parallel_loop3A_471 : i32
      %parallel_loop3A_473 = arith.index_cast %parallel_loop3A_472 : i32 to index
      %parallel_loop3A_474 = tpu.vector_load %arg7[%parallel_loop3A_473] {strides = array<i32>} : memref<16384xi32, #tpu.memory_space<vmem>>, vector<16xi32>,
      tpu.vector_store_idx %arg8[%parallel_loop3A_474], %broadcast_in_dim3A_3 {add = true} : memref<65536xi32, #tpu.memory_space<vmem>>[vector<16xi32>], vector<16xi32>,
    } {sc.loop_unroll_factor = 8 : i64, sc.parallel_access}
    %add3A_76 = arith.constant 114688 : i32
    %add3A_77 = arith.addi %mul3A_5, %add3A_76 : i32
    %dma_start3A_78 = tpu.memref_slice %arg2[%add3A_77] : memref<4194304xi32, #tpu.memory_space<hbm>> -> memref<16384xi32, #tpu.memory_space<hbm>>
    %dma_start3A_79 = tpu.memref_slice %arg2[%add3A_77] : memref<4194304xi32, #tpu.memory_space<hbm>> -> memref<16384xi32, #tpu.memory_space<hbm>>
    tpu.enqueue_dma source(%dma_start3A_79 : memref<16384xi32, #tpu.memory_space<hbm>>) target(%arg7 : memref<16384xi32, #tpu.memory_space<vmem>>) target_semaphore(%arg10 : memref<!tpu.dma_semaphore, #tpu.memory_space<semaphore_mem>>)
    %dma_wait3A_80 = arith.constant 0 : i32
    %dma_wait3A_81 = tpu.memref_slice %arg2[%dma_wait3A_80] : memref<4194304xi32, #tpu.memory_space<hbm>> -> memref<16384xi32, #tpu.memory_space<hbm>>
    %dma_wait3A_82 = arith.constant 0 : i32
    %dma_wait3A_83 = tpu.memref_slice %arg2[%dma_wait3A_82] : memref<4194304xi32, #tpu.memory_space<hbm>> -> memref<16384xi32, #tpu.memory_space<hbm>>
    tpu.wait_dma2 semaphore(%arg9 : memref<!tpu.dma_semaphore, #tpu.memory_space<semaphore_mem>>) src(%dma_wait3A_83 : memref<16384xi32, #tpu.memory_space<hbm>>) dst(%arg6 : memref<16384xi32, #tpu.memory_space<vmem>>)
    %parallel_loop3A_84 = arith.constant 0 : i32
    %parallel_loop3A_85 = arith.constant 1024 : i32
    %parallel_loop3A_86 = arith.constant 1 : i32
    scf.for %parallel_loop3A_470 = %parallel_loop3A_84 to %parallel_loop3A_85 step %parallel_loop3A_86  : i32 {
      %parallel_loop3A_471 = arith.constant 16 : i32
      %parallel_loop3A_472 = arith.muli %parallel_loop3A_470, %parallel_loop3A_471 : i32
      %parallel_loop3A_473 = arith.index_cast %parallel_loop3A_472 : i32 to index
      %parallel_loop3A_474 = tpu.vector_load %arg6[%parallel_loop3A_473] {strides = array<i32>} : memref<16384xi32, #tpu.memory_space<vmem>>, vector<16xi32>,
      tpu.vector_store_idx %arg8[%parallel_loop3A_474], %broadcast_in_dim3A_3 {add = true} : memref<65536xi32, #tpu.memory_space<vmem>>[vector<16xi32>], vector<16xi32>,
    } {sc.loop_unroll_factor = 8 : i64, sc.parallel_access}
    %add3A_87 = arith.constant 0 : i32
    %add3A_88 = arith.addi %mul3A_5, %add3A_87 : i32
    %dma_start3A_89 = tpu.memref_slice %arg3[%add3A_88] : memref<4194304xi32, #tpu.memory_space<hbm>> -> memref<16384xi32, #tpu.memory_space<hbm>>
    %dma_start3A_90 = tpu.memref_slice %arg3[%add3A_88] : memref<4194304xi32, #tpu.memory_space<hbm>> -> memref<16384xi32, #tpu.memory_space<hbm>>
    tpu.enqueue_dma source(%dma_start3A_90 : memref<16384xi32, #tpu.memory_space<hbm>>) target(%arg6 : memref<16384xi32, #tpu.memory_space<vmem>>) target_semaphore(%arg9 : memref<!tpu.dma_semaphore, #tpu.memory_space<semaphore_mem>>)
    %dma_wait3A_91 = arith.constant 0 : i32
    %dma_wait3A_92 = tpu.memref_slice %arg2[%dma_wait3A_91] : memref<4194304xi32, #tpu.memory_space<hbm>> -> memref<16384xi32, #tpu.memory_space<hbm>>
    %dma_wait3A_93 = arith.constant 0 : i32
    %dma_wait3A_94 = tpu.memref_slice %arg2[%dma_wait3A_93] : memref<4194304xi32, #tpu.memory_space<hbm>> -> memref<16384xi32, #tpu.memory_space<hbm>>
    tpu.wait_dma2 semaphore(%arg10 : memref<!tpu.dma_semaphore, #tpu.memory_space<semaphore_mem>>) src(%dma_wait3A_94 : memref<16384xi32, #tpu.memory_space<hbm>>) dst(%arg7 : memref<16384xi32, #tpu.memory_space<vmem>>)
    %parallel_loop3A_95 = arith.constant 0 : i32
    %parallel_loop3A_96 = arith.constant 1024 : i32
    %parallel_loop3A_97 = arith.constant 1 : i32
    scf.for %parallel_loop3A_470 = %parallel_loop3A_95 to %parallel_loop3A_96 step %parallel_loop3A_97  : i32 {
      %parallel_loop3A_471 = arith.constant 16 : i32
      %parallel_loop3A_472 = arith.muli %parallel_loop3A_470, %parallel_loop3A_471 : i32
      %parallel_loop3A_473 = arith.index_cast %parallel_loop3A_472 : i32 to index
      %parallel_loop3A_474 = tpu.vector_load %arg7[%parallel_loop3A_473] {strides = array<i32>} : memref<16384xi32, #tpu.memory_space<vmem>>, vector<16xi32>,
      tpu.vector_store_idx %arg8[%parallel_loop3A_474], %broadcast_in_dim3A_3 {add = true} : memref<65536xi32, #tpu.memory_space<vmem>>[vector<16xi32>], vector<16xi32>,
    } {sc.loop_unroll_factor = 8 : i64, sc.parallel_access}
    %mul3A_98 = arith.constant 8192 : i32
    %mul3A_99 = arith.muli %add3A, %mul3A_98 : i32
    %add3A_100 = arith.constant 0 : i32
    %add3A_101 = arith.addi %add3A_100, %mul3A_99 : i32
    %dma_start3A_102 = arith.constant 0 : i32
    %dma_start3A_103 = tpu.memref_slice %arg8[%dma_start3A_102] : memref<65536xi32, #tpu.memory_space<vmem>> -> memref<8192xi32, #tpu.memory_space<vmem>>
    %dma_start3A_104 = tpu.memref_slice %arg4[%add3A_101] : memref<2097152xi32, #tpu.memory_space<hbm>> -> memref<8192xi32, #tpu.memory_space<hbm>>
    %dma_start3A_105 = tpu.memref_slice %arg4[%add3A_101] : memref<2097152xi32, #tpu.memory_space<hbm>> -> memref<8192xi32, #tpu.memory_space<hbm>>
    %dma_start3A_106 = arith.constant 0 : i32
    %dma_start3A_107 = tpu.memref_slice %arg8[%dma_start3A_106] : memref<65536xi32, #tpu.memory_space<vmem>> -> memref<8192xi32, #tpu.memory_space<vmem>>
    tpu.enqueue_dma source(%dma_start3A_107 : memref<8192xi32, #tpu.memory_space<vmem>>) target(%dma_start3A_105 : memref<8192xi32, #tpu.memory_space<hbm>>) target_semaphore(%arg11 : memref<!tpu.dma_semaphore, #tpu.memory_space<semaphore_mem>>)
    %mul3A_108 = arith.constant 8192 : i32
    %mul3A_109 = arith.muli %add3A, %mul3A_108 : i32
    %add3A_110 = arith.constant 262144 : i32
    %add3A_111 = arith.addi %add3A_110, %mul3A_109 : i32
    %dma_start3A_112 = arith.constant 8192 : i32
    %dma_start3A_113 = tpu.memref_slice %arg8[%dma_start3A_112] : memref<65536xi32, #tpu.memory_space<vmem>> -> memref<8192xi32, #tpu.memory_space<vmem>>
    %dma_start3A_114 = tpu.memref_slice %arg4[%add3A_111] : memref<2097152xi32, #tpu.memory_space<hbm>> -> memref<8192xi32, #tpu.memory_space<hbm>>
    %dma_start3A_115 = tpu.memref_slice %arg4[%add3A_111] : memref<2097152xi32, #tpu.memory_space<hbm>> -> memref<8192xi32, #tpu.memory_space<hbm>>
    %dma_start3A_116 = arith.constant 8192 : i32
    %dma_start3A_117 = tpu.memref_slice %arg8[%dma_start3A_116] : memref<65536xi32, #tpu.memory_space<vmem>> -> memref<8192xi32, #tpu.memory_space<vmem>>
    tpu.enqueue_dma source(%dma_start3A_117 : memref<8192xi32, #tpu.memory_space<vmem>>) target(%dma_start3A_115 : memref<8192xi32, #tpu.memory_space<hbm>>) target_semaphore(%arg11 : memref<!tpu.dma_semaphore, #tpu.memory_space<semaphore_mem>>)
    %mul3A_118 = arith.constant 8192 : i32
    %mul3A_119 = arith.muli %add3A, %mul3A_118 : i32
    %add3A_120 = arith.constant 524288 : i32
    %add3A_121 = arith.addi %add3A_120, %mul3A_119 : i32
    %dma_start3A_122 = arith.constant 16384 : i32
    %dma_start3A_123 = tpu.memref_slice %arg8[%dma_start3A_122] : memref<65536xi32, #tpu.memory_space<vmem>> -> memref<8192xi32, #tpu.memory_space<vmem>>
    %dma_start3A_124 = tpu.memref_slice %arg4[%add3A_121] : memref<2097152xi32, #tpu.memory_space<hbm>> -> memref<8192xi32, #tpu.memory_space<hbm>>
    %dma_start3A_125 = tpu.memref_slice %arg4[%add3A_121] : memref<2097152xi32, #tpu.memory_space<hbm>> -> memref<8192xi32, #tpu.memory_space<hbm>>
    %dma_start3A_126 = arith.constant 16384 : i32
    %dma_start3A_127 = tpu.memref_slice %arg8[%dma_start3A_126] : memref<65536xi32, #tpu.memory_space<vmem>> -> memref<8192xi32, #tpu.memory_space<vmem>>
    tpu.enqueue_dma source(%dma_start3A_127 : memref<8192xi32, #tpu.memory_space<vmem>>) target(%dma_start3A_125 : memref<8192xi32, #tpu.memory_space<hbm>>) target_semaphore(%arg11 : memref<!tpu.dma_semaphore, #tpu.memory_space<semaphore_mem>>)
    %mul3A_128 = arith.constant 8192 : i32
    %mul3A_129 = arith.muli %add3A, %mul3A_128 : i32
    %add3A_130 = arith.constant 786432 : i32
    %add3A_131 = arith.addi %add3A_130, %mul3A_129 : i32
    %dma_start3A_132 = arith.constant 24576 : i32
    %dma_start3A_133 = tpu.memref_slice %arg8[%dma_start3A_132] : memref<65536xi32, #tpu.memory_space<vmem>> -> memref<8192xi32, #tpu.memory_space<vmem>>
    %dma_start3A_134 = tpu.memref_slice %arg4[%add3A_131] : memref<2097152xi32, #tpu.memory_space<hbm>> -> memref<8192xi32, #tpu.memory_space<hbm>>
    %dma_start3A_135 = tpu.memref_slice %arg4[%add3A_131] : memref<2097152xi32, #tpu.memory_space<hbm>> -> memref<8192xi32, #tpu.memory_space<hbm>>
    %dma_start3A_136 = arith.constant 24576 : i32
    %dma_start3A_137 = tpu.memref_slice %arg8[%dma_start3A_136] : memref<65536xi32, #tpu.memory_space<vmem>> -> memref<8192xi32, #tpu.memory_space<vmem>>
    tpu.enqueue_dma source(%dma_start3A_137 : memref<8192xi32, #tpu.memory_space<vmem>>) target(%dma_start3A_135 : memref<8192xi32, #tpu.memory_space<hbm>>) target_semaphore(%arg11 : memref<!tpu.dma_semaphore, #tpu.memory_space<semaphore_mem>>)
    %mul3A_138 = arith.constant 8192 : i32
    %mul3A_139 = arith.muli %add3A, %mul3A_138 : i32
    %add3A_140 = arith.constant 1048576 : i32
    %add3A_141 = arith.addi %add3A_140, %mul3A_139 : i32
    %dma_start3A_142 = arith.constant 32768 : i32
    %dma_start3A_143 = tpu.memref_slice %arg8[%dma_start3A_142] : memref<65536xi32, #tpu.memory_space<vmem>> -> memref<8192xi32, #tpu.memory_space<vmem>>
    %dma_start3A_144 = tpu.memref_slice %arg4[%add3A_141] : memref<2097152xi32, #tpu.memory_space<hbm>> -> memref<8192xi32, #tpu.memory_space<hbm>>
    %dma_start3A_145 = tpu.memref_slice %arg4[%add3A_141] : memref<2097152xi32, #tpu.memory_space<hbm>> -> memref<8192xi32, #tpu.memory_space<hbm>>
    %dma_start3A_146 = arith.constant 32768 : i32
    %dma_start3A_147 = tpu.memref_slice %arg8[%dma_start3A_146] : memref<65536xi32, #tpu.memory_space<vmem>> -> memref<8192xi32, #tpu.memory_space<vmem>>
    tpu.enqueue_dma source(%dma_start3A_147 : memref<8192xi32, #tpu.memory_space<vmem>>) target(%dma_start3A_145 : memref<8192xi32, #tpu.memory_space<hbm>>) target_semaphore(%arg11 : memref<!tpu.dma_semaphore, #tpu.memory_space<semaphore_mem>>)
    %mul3A_148 = arith.constant 8192 : i32
    %mul3A_149 = arith.muli %add3A, %mul3A_148 : i32
    %add3A_150 = arith.constant 1310720 : i32
    %add3A_151 = arith.addi %add3A_150, %mul3A_149 : i32
    %dma_start3A_152 = arith.constant 40960 : i32
    %dma_start3A_153 = tpu.memref_slice %arg8[%dma_start3A_152] : memref<65536xi32, #tpu.memory_space<vmem>> -> memref<8192xi32, #tpu.memory_space<vmem>>
    %dma_start3A_154 = tpu.memref_slice %arg4[%add3A_151] : memref<2097152xi32, #tpu.memory_space<hbm>> -> memref<8192xi32, #tpu.memory_space<hbm>>
    %dma_start3A_155 = tpu.memref_slice %arg4[%add3A_151] : memref<2097152xi32, #tpu.memory_space<hbm>> -> memref<8192xi32, #tpu.memory_space<hbm>>
    %dma_start3A_156 = arith.constant 40960 : i32
    %dma_start3A_157 = tpu.memref_slice %arg8[%dma_start3A_156] : memref<65536xi32, #tpu.memory_space<vmem>> -> memref<8192xi32, #tpu.memory_space<vmem>>
    tpu.enqueue_dma source(%dma_start3A_157 : memref<8192xi32, #tpu.memory_space<vmem>>) target(%dma_start3A_155 : memref<8192xi32, #tpu.memory_space<hbm>>) target_semaphore(%arg11 : memref<!tpu.dma_semaphore, #tpu.memory_space<semaphore_mem>>)
    %mul3A_158 = arith.constant 8192 : i32
    %mul3A_159 = arith.muli %add3A, %mul3A_158 : i32
    %add3A_160 = arith.constant 1572864 : i32
    %add3A_161 = arith.addi %add3A_160, %mul3A_159 : i32
    %dma_start3A_162 = arith.constant 49152 : i32
    %dma_start3A_163 = tpu.memref_slice %arg8[%dma_start3A_162] : memref<65536xi32, #tpu.memory_space<vmem>> -> memref<8192xi32, #tpu.memory_space<vmem>>
    %dma_start3A_164 = tpu.memref_slice %arg4[%add3A_161] : memref<2097152xi32, #tpu.memory_space<hbm>> -> memref<8192xi32, #tpu.memory_space<hbm>>
    %dma_start3A_165 = tpu.memref_slice %arg4[%add3A_161] : memref<2097152xi32, #tpu.memory_space<hbm>> -> memref<8192xi32, #tpu.memory_space<hbm>>
    %dma_start3A_166 = arith.constant 49152 : i32
    %dma_start3A_167 = tpu.memref_slice %arg8[%dma_start3A_166] : memref<65536xi32, #tpu.memory_space<vmem>> -> memref<8192xi32, #tpu.memory_space<vmem>>
    tpu.enqueue_dma source(%dma_start3A_167 : memref<8192xi32, #tpu.memory_space<vmem>>) target(%dma_start3A_165 : memref<8192xi32, #tpu.memory_space<hbm>>) target_semaphore(%arg11 : memref<!tpu.dma_semaphore, #tpu.memory_space<semaphore_mem>>)
    %mul3A_168 = arith.constant 8192 : i32
    %mul3A_169 = arith.muli %add3A, %mul3A_168 : i32
    %add3A_170 = arith.constant 1835008 : i32
    %add3A_171 = arith.addi %add3A_170, %mul3A_169 : i32
    %dma_start3A_172 = arith.constant 57344 : i32
    %dma_start3A_173 = tpu.memref_slice %arg8[%dma_start3A_172] : memref<65536xi32, #tpu.memory_space<vmem>> -> memref<8192xi32, #tpu.memory_space<vmem>>
    %dma_start3A_174 = tpu.memref_slice %arg4[%add3A_171] : memref<2097152xi32, #tpu.memory_space<hbm>> -> memref<8192xi32, #tpu.memory_space<hbm>>
    %dma_start3A_175 = tpu.memref_slice %arg4[%add3A_171] : memref<2097152xi32, #tpu.memory_space<hbm>> -> memref<8192xi32, #tpu.memory_space<hbm>>
    %dma_start3A_176 = arith.constant 57344 : i32
    %dma_start3A_177 = tpu.memref_slice %arg8[%dma_start3A_176] : memref<65536xi32, #tpu.memory_space<vmem>> -> memref<8192xi32, #tpu.memory_space<vmem>>
    tpu.enqueue_dma source(%dma_start3A_177 : memref<8192xi32, #tpu.memory_space<vmem>>) target(%dma_start3A_175 : memref<8192xi32, #tpu.memory_space<hbm>>) target_semaphore(%arg11 : memref<!tpu.dma_semaphore, #tpu.memory_space<semaphore_mem>>)
    %dma_wait3A_178 = arith.constant 0 : i32
    %dma_wait3A_179 = tpu.memref_slice %arg8[%dma_wait3A_178] : memref<65536xi32, #tpu.memory_space<vmem>> -> memref<8192xi32, #tpu.memory_space<vmem>>
    %dma_wait3A_180 = arith.constant 0 : i32
    %dma_wait3A_181 = tpu.memref_slice %arg4[%dma_wait3A_180] : memref<2097152xi32, #tpu.memory_space<hbm>> -> memref<8192xi32, #tpu.memory_space<hbm>>
    %dma_wait3A_182 = arith.constant 0 : i32
    %dma_wait3A_183 = tpu.memref_slice %arg4[%dma_wait3A_182] : memref<2097152xi32, #tpu.memory_space<hbm>> -> memref<8192xi32, #tpu.memory_space<hbm>>
    %dma_wait3A_184 = arith.constant 0 : i32
    %dma_wait3A_185 = tpu.memref_slice %arg8[%dma_wait3A_184] : memref<65536xi32, #tpu.memory_space<vmem>> -> memref<8192xi32, #tpu.memory_space<vmem>>
    tpu.wait_dma2 semaphore(%arg11 : memref<!tpu.dma_semaphore, #tpu.memory_space<semaphore_mem>>) src(%dma_wait3A_185 : memref<8192xi32, #tpu.memory_space<vmem>>) dst(%dma_wait3A_183 : memref<8192xi32, #tpu.memory_space<hbm>>)
    %dma_wait3A_186 = arith.constant 0 : i32
    %dma_wait3A_187 = tpu.memref_slice %arg8[%dma_wait3A_186] : memref<65536xi32, #tpu.memory_space<vmem>> -> memref<8192xi32, #tpu.memory_space<vmem>>
    %dma_wait3A_188 = arith.constant 0 : i32
    %dma_wait3A_189 = tpu.memref_slice %arg4[%dma_wait3A_188] : memref<2097152xi32, #tpu.memory_space<hbm>> -> memref<8192xi32, #tpu.memory_space<hbm>>
    %dma_wait3A_190 = arith.constant 0 : i32
    %dma_wait3A_191 = tpu.memref_slice %arg4[%dma_wait3A_190] : memref<2097152xi32, #tpu.memory_space<hbm>> -> memref<8192xi32, #tpu.memory_space<hbm>>
    %dma_wait3A_192 = arith.constant 0 : i32
    %dma_wait3A_193 = tpu.memref_slice %arg8[%dma_wait3A_192] : memref<65536xi32, #tpu.memory_space<vmem>> -> memref<8192xi32, #tpu.memory_space<vmem>>
    tpu.wait_dma2 semaphore(%arg11 : memref<!tpu.dma_semaphore, #tpu.memory_space<semaphore_mem>>) src(%dma_wait3A_193 : memref<8192xi32, #tpu.memory_space<vmem>>) dst(%dma_wait3A_191 : memref<8192xi32, #tpu.memory_space<hbm>>)
    %dma_wait3A_194 = arith.constant 0 : i32
    %dma_wait3A_195 = tpu.memref_slice %arg8[%dma_wait3A_194] : memref<65536xi32, #tpu.memory_space<vmem>> -> memref<8192xi32, #tpu.memory_space<vmem>>
    %dma_wait3A_196 = arith.constant 0 : i32
    %dma_wait3A_197 = tpu.memref_slice %arg4[%dma_wait3A_196] : memref<2097152xi32, #tpu.memory_space<hbm>> -> memref<8192xi32, #tpu.memory_space<hbm>>
    %dma_wait3A_198 = arith.constant 0 : i32
    %dma_wait3A_199 = tpu.memref_slice %arg4[%dma_wait3A_198] : memref<2097152xi32, #tpu.memory_space<hbm>> -> memref<8192xi32, #tpu.memory_space<hbm>>
    %dma_wait3A_200 = arith.constant 0 : i32
    %dma_wait3A_201 = tpu.memref_slice %arg8[%dma_wait3A_200] : memref<65536xi32, #tpu.memory_space<vmem>> -> memref<8192xi32, #tpu.memory_space<vmem>>
    tpu.wait_dma2 semaphore(%arg11 : memref<!tpu.dma_semaphore, #tpu.memory_space<semaphore_mem>>) src(%dma_wait3A_201 : memref<8192xi32, #tpu.memory_space<vmem>>) dst(%dma_wait3A_199 : memref<8192xi32, #tpu.memory_space<hbm>>)
    %dma_wait3A_202 = arith.constant 0 : i32
    %dma_wait3A_203 = tpu.memref_slice %arg8[%dma_wait3A_202] : memref<65536xi32, #tpu.memory_space<vmem>> -> memref<8192xi32, #tpu.memory_space<vmem>>
    %dma_wait3A_204 = arith.constant 0 : i32
    %dma_wait3A_205 = tpu.memref_slice %arg4[%dma_wait3A_204] : memref<2097152xi32, #tpu.memory_space<hbm>> -> memref<8192xi32, #tpu.memory_space<hbm>>
    %dma_wait3A_206 = arith.constant 0 : i32
    %dma_wait3A_207 = tpu.memref_slice %arg4[%dma_wait3A_206] : memref<2097152xi32, #tpu.memory_space<hbm>> -> memref<8192xi32, #tpu.memory_space<hbm>>
    %dma_wait3A_208 = arith.constant 0 : i32
    %dma_wait3A_209 = tpu.memref_slice %arg8[%dma_wait3A_208] : memref<65536xi32, #tpu.memory_space<vmem>> -> memref<8192xi32, #tpu.memory_space<vmem>>
    tpu.wait_dma2 semaphore(%arg11 : memref<!tpu.dma_semaphore, #tpu.memory_space<semaphore_mem>>) src(%dma_wait3A_209 : memref<8192xi32, #tpu.memory_space<vmem>>) dst(%dma_wait3A_207 : memref<8192xi32, #tpu.memory_space<hbm>>)
    %dma_wait3A_210 = arith.constant 0 : i32
    %dma_wait3A_211 = tpu.memref_slice %arg8[%dma_wait3A_210] : memref<65536xi32, #tpu.memory_space<vmem>> -> memref<8192xi32, #tpu.memory_space<vmem>>
    %dma_wait3A_212 = arith.constant 0 : i32
    %dma_wait3A_213 = tpu.memref_slice %arg4[%dma_wait3A_212] : memref<2097152xi32, #tpu.memory_space<hbm>> -> memref<8192xi32, #tpu.memory_space<hbm>>
    %dma_wait3A_214 = arith.constant 0 : i32
    %dma_wait3A_215 = tpu.memref_slice %arg4[%dma_wait3A_214] : memref<2097152xi32, #tpu.memory_space<hbm>> -> memref<8192xi32, #tpu.memory_space<hbm>>
    %dma_wait3A_216 = arith.constant 0 : i32
    %dma_wait3A_217 = tpu.memref_slice %arg8[%dma_wait3A_216] : memref<65536xi32, #tpu.memory_space<vmem>> -> memref<8192xi32, #tpu.memory_space<vmem>>
    tpu.wait_dma2 semaphore(%arg11 : memref<!tpu.dma_semaphore, #tpu.memory_space<semaphore_mem>>) src(%dma_wait3A_217 : memref<8192xi32, #tpu.memory_space<vmem>>) dst(%dma_wait3A_215 : memref<8192xi32, #tpu.memory_space<hbm>>)
    %dma_wait3A_218 = arith.constant 0 : i32
    %dma_wait3A_219 = tpu.memref_slice %arg8[%dma_wait3A_218] : memref<65536xi32, #tpu.memory_space<vmem>> -> memref<8192xi32, #tpu.memory_space<vmem>>
    %dma_wait3A_220 = arith.constant 0 : i32
    %dma_wait3A_221 = tpu.memref_slice %arg4[%dma_wait3A_220] : memref<2097152xi32, #tpu.memory_space<hbm>> -> memref<8192xi32, #tpu.memory_space<hbm>>
    %dma_wait3A_222 = arith.constant 0 : i32
    %dma_wait3A_223 = tpu.memref_slice %arg4[%dma_wait3A_222] : memref<2097152xi32, #tpu.memory_space<hbm>> -> memref<8192xi32, #tpu.memory_space<hbm>>
    %dma_wait3A_224 = arith.constant 0 : i32
    %dma_wait3A_225 = tpu.memref_slice %arg8[%dma_wait3A_224] : memref<65536xi32, #tpu.memory_space<vmem>> -> memref<8192xi32, #tpu.memory_space<vmem>>
    tpu.wait_dma2 semaphore(%arg11 : memref<!tpu.dma_semaphore, #tpu.memory_space<semaphore_mem>>) src(%dma_wait3A_225 : memref<8192xi32, #tpu.memory_space<vmem>>) dst(%dma_wait3A_223 : memref<8192xi32, #tpu.memory_space<hbm>>)
    %dma_wait3A_226 = arith.constant 0 : i32
    %dma_wait3A_227 = tpu.memref_slice %arg8[%dma_wait3A_226] : memref<65536xi32, #tpu.memory_space<vmem>> -> memref<8192xi32, #tpu.memory_space<vmem>>
    %dma_wait3A_228 = arith.constant 0 : i32
    %dma_wait3A_229 = tpu.memref_slice %arg4[%dma_wait3A_228] : memref<2097152xi32, #tpu.memory_space<hbm>> -> memref<8192xi32, #tpu.memory_space<hbm>>
    %dma_wait3A_230 = arith.constant 0 : i32
    %dma_wait3A_231 = tpu.memref_slice %arg4[%dma_wait3A_230] : memref<2097152xi32, #tpu.memory_space<hbm>> -> memref<8192xi32, #tpu.memory_space<hbm>>
    %dma_wait3A_232 = arith.constant 0 : i32
    %dma_wait3A_233 = tpu.memref_slice %arg8[%dma_wait3A_232] : memref<65536xi32, #tpu.memory_space<vmem>> -> memref<8192xi32, #tpu.memory_space<vmem>>
    tpu.wait_dma2 semaphore(%arg11 : memref<!tpu.dma_semaphore, #tpu.memory_space<semaphore_mem>>) src(%dma_wait3A_233 : memref<8192xi32, #tpu.memory_space<vmem>>) dst(%dma_wait3A_231 : memref<8192xi32, #tpu.memory_space<hbm>>)
    %dma_wait3A_234 = arith.constant 0 : i32
    %dma_wait3A_235 = tpu.memref_slice %arg8[%dma_wait3A_234] : memref<65536xi32, #tpu.memory_space<vmem>> -> memref<8192xi32, #tpu.memory_space<vmem>>
    %dma_wait3A_236 = arith.constant 0 : i32
    %dma_wait3A_237 = tpu.memref_slice %arg4[%dma_wait3A_236] : memref<2097152xi32, #tpu.memory_space<hbm>> -> memref<8192xi32, #tpu.memory_space<hbm>>
    %dma_wait3A_238 = arith.constant 0 : i32
    %dma_wait3A_239 = tpu.memref_slice %arg4[%dma_wait3A_238] : memref<2097152xi32, #tpu.memory_space<hbm>> -> memref<8192xi32, #tpu.memory_space<hbm>>
    %dma_wait3A_240 = arith.constant 0 : i32
    %dma_wait3A_241 = tpu.memref_slice %arg8[%dma_wait3A_240] : memref<65536xi32, #tpu.memory_space<vmem>> -> memref<8192xi32, #tpu.memory_space<vmem>>
    tpu.wait_dma2 semaphore(%arg11 : memref<!tpu.dma_semaphore, #tpu.memory_space<semaphore_mem>>) src(%dma_wait3A_241 : memref<8192xi32, #tpu.memory_space<vmem>>) dst(%dma_wait3A_239 : memref<8192xi32, #tpu.memory_space<hbm>>)
    %add3A_242 = arith.constant 16384 : i32
    %add3A_243 = arith.addi %mul3A_5, %add3A_242 : i32
    %dma_start3A_244 = tpu.memref_slice %arg3[%add3A_243] : memref<4194304xi32, #tpu.memory_space<hbm>> -> memref<16384xi32, #tpu.memory_space<hbm>>
    %dma_start3A_245 = tpu.memref_slice %arg3[%add3A_243] : memref<4194304xi32, #tpu.memory_space<hbm>> -> memref<16384xi32, #tpu.memory_space<hbm>>
    tpu.enqueue_dma source(%dma_start3A_245 : memref<16384xi32, #tpu.memory_space<hbm>>) target(%arg7 : memref<16384xi32, #tpu.memory_space<vmem>>) target_semaphore(%arg10 : memref<!tpu.dma_semaphore, #tpu.memory_space<semaphore_mem>>)
    %dma_wait3A_246 = arith.constant 0 : i32
    %dma_wait3A_247 = tpu.memref_slice %arg2[%dma_wait3A_246] : memref<4194304xi32, #tpu.memory_space<hbm>> -> memref<16384xi32, #tpu.memory_space<hbm>>
    %dma_wait3A_248 = arith.constant 0 : i32
    %dma_wait3A_249 = tpu.memref_slice %arg2[%dma_wait3A_248] : memref<4194304xi32, #tpu.memory_space<hbm>> -> memref<16384xi32, #tpu.memory_space<hbm>>
    tpu.wait_dma2 semaphore(%arg9 : memref<!tpu.dma_semaphore, #tpu.memory_space<semaphore_mem>>) src(%dma_wait3A_249 : memref<16384xi32, #tpu.memory_space<hbm>>) dst(%arg6 : memref<16384xi32, #tpu.memory_space<vmem>>)
    %parallel_loop3A_250 = arith.constant 0 : i32
    %parallel_loop3A_251 = arith.constant 1024 : i32
    %parallel_loop3A_252 = arith.constant 1 : i32
    scf.for %parallel_loop3A_470 = %parallel_loop3A_250 to %parallel_loop3A_251 step %parallel_loop3A_252  : i32 {
      %parallel_loop3A_471 = arith.constant 16 : i32
      %parallel_loop3A_472 = arith.muli %parallel_loop3A_470, %parallel_loop3A_471 : i32
      %parallel_loop3A_473 = arith.index_cast %parallel_loop3A_472 : i32 to index
      %parallel_loop3A_474 = tpu.vector_load %arg6[%parallel_loop3A_473] {strides = array<i32>} : memref<16384xi32, #tpu.memory_space<vmem>>, vector<16xi32>,
      tpu.vector_store_idx %arg8[%parallel_loop3A_474], %broadcast_in_dim3A_3 {add = true} : memref<65536xi32, #tpu.memory_space<vmem>>[vector<16xi32>], vector<16xi32>,
    } {sc.loop_unroll_factor = 8 : i64, sc.parallel_access}
    %add3A_253 = arith.constant 32768 : i32
    %add3A_254 = arith.addi %mul3A_5, %add3A_253 : i32
    %dma_start3A_255 = tpu.memref_slice %arg3[%add3A_254] : memref<4194304xi32, #tpu.memory_space<hbm>> -> memref<16384xi32, #tpu.memory_space<hbm>>
    %dma_start3A_256 = tpu.memref_slice %arg3[%add3A_254] : memref<4194304xi32, #tpu.memory_space<hbm>> -> memref<16384xi32, #tpu.memory_space<hbm>>
    tpu.enqueue_dma source(%dma_start3A_256 : memref<16384xi32, #tpu.memory_space<hbm>>) target(%arg6 : memref<16384xi32, #tpu.memory_space<vmem>>) target_semaphore(%arg9 : memref<!tpu.dma_semaphore, #tpu.memory_space<semaphore_mem>>)
    %dma_wait3A_257 = arith.constant 0 : i32
    %dma_wait3A_258 = tpu.memref_slice %arg2[%dma_wait3A_257] : memref<4194304xi32, #tpu.memory_space<hbm>> -> memref<16384xi32, #tpu.memory_space<hbm>>
    %dma_wait3A_259 = arith.constant 0 : i32
    %dma_wait3A_260 = tpu.memref_slice %arg2[%dma_wait3A_259] : memref<4194304xi32, #tpu.memory_space<hbm>> -> memref<16384xi32, #tpu.memory_space<hbm>>
    tpu.wait_dma2 semaphore(%arg10 : memref<!tpu.dma_semaphore, #tpu.memory_space<semaphore_mem>>) src(%dma_wait3A_260 : memref<16384xi32, #tpu.memory_space<hbm>>) dst(%arg7 : memref<16384xi32, #tpu.memory_space<vmem>>)
    %parallel_loop3A_261 = arith.constant 0 : i32
    %parallel_loop3A_262 = arith.constant 1024 : i32
    %parallel_loop3A_263 = arith.constant 1 : i32
    scf.for %parallel_loop3A_470 = %parallel_loop3A_261 to %parallel_loop3A_262 step %parallel_loop3A_263  : i32 {
      %parallel_loop3A_471 = arith.constant 16 : i32
      %parallel_loop3A_472 = arith.muli %parallel_loop3A_470, %parallel_loop3A_471 : i32
      %parallel_loop3A_473 = arith.index_cast %parallel_loop3A_472 : i32 to index
      %parallel_loop3A_474 = tpu.vector_load %arg7[%parallel_loop3A_473] {strides = array<i32>} : memref<16384xi32, #tpu.memory_space<vmem>>, vector<16xi32>,
      tpu.vector_store_idx %arg8[%parallel_loop3A_474], %broadcast_in_dim3A_3 {add = true} : memref<65536xi32, #tpu.memory_space<vmem>>[vector<16xi32>], vector<16xi32>,
    } {sc.loop_unroll_factor = 8 : i64, sc.parallel_access}
    %add3A_264 = arith.constant 49152 : i32
    %add3A_265 = arith.addi %mul3A_5, %add3A_264 : i32
    %dma_start3A_266 = tpu.memref_slice %arg3[%add3A_265] : memref<4194304xi32, #tpu.memory_space<hbm>> -> memref<16384xi32, #tpu.memory_space<hbm>>
    %dma_start3A_267 = tpu.memref_slice %arg3[%add3A_265] : memref<4194304xi32, #tpu.memory_space<hbm>> -> memref<16384xi32, #tpu.memory_space<hbm>>
    tpu.enqueue_dma source(%dma_start3A_267 : memref<16384xi32, #tpu.memory_space<hbm>>) target(%arg7 : memref<16384xi32, #tpu.memory_space<vmem>>) target_semaphore(%arg10 : memref<!tpu.dma_semaphore, #tpu.memory_space<semaphore_mem>>)
    %dma_wait3A_268 = arith.constant 0 : i32
    %dma_wait3A_269 = tpu.memref_slice %arg2[%dma_wait3A_268] : memref<4194304xi32, #tpu.memory_space<hbm>> -> memref<16384xi32, #tpu.memory_space<hbm>>
    %dma_wait3A_270 = arith.constant 0 : i32
    %dma_wait3A_271 = tpu.memref_slice %arg2[%dma_wait3A_270] : memref<4194304xi32, #tpu.memory_space<hbm>> -> memref<16384xi32, #tpu.memory_space<hbm>>
    tpu.wait_dma2 semaphore(%arg9 : memref<!tpu.dma_semaphore, #tpu.memory_space<semaphore_mem>>) src(%dma_wait3A_271 : memref<16384xi32, #tpu.memory_space<hbm>>) dst(%arg6 : memref<16384xi32, #tpu.memory_space<vmem>>)
    %parallel_loop3A_272 = arith.constant 0 : i32
    %parallel_loop3A_273 = arith.constant 1024 : i32
    %parallel_loop3A_274 = arith.constant 1 : i32
    scf.for %parallel_loop3A_470 = %parallel_loop3A_272 to %parallel_loop3A_273 step %parallel_loop3A_274  : i32 {
      %parallel_loop3A_471 = arith.constant 16 : i32
      %parallel_loop3A_472 = arith.muli %parallel_loop3A_470, %parallel_loop3A_471 : i32
      %parallel_loop3A_473 = arith.index_cast %parallel_loop3A_472 : i32 to index
      %parallel_loop3A_474 = tpu.vector_load %arg6[%parallel_loop3A_473] {strides = array<i32>} : memref<16384xi32, #tpu.memory_space<vmem>>, vector<16xi32>,
      tpu.vector_store_idx %arg8[%parallel_loop3A_474], %broadcast_in_dim3A_3 {add = true} : memref<65536xi32, #tpu.memory_space<vmem>>[vector<16xi32>], vector<16xi32>,
    } {sc.loop_unroll_factor = 8 : i64, sc.parallel_access}
    %add3A_275 = arith.constant 65536 : i32
    %add3A_276 = arith.addi %mul3A_5, %add3A_275 : i32
    %dma_start3A_277 = tpu.memref_slice %arg3[%add3A_276] : memref<4194304xi32, #tpu.memory_space<hbm>> -> memref<16384xi32, #tpu.memory_space<hbm>>
    %dma_start3A_278 = tpu.memref_slice %arg3[%add3A_276] : memref<4194304xi32, #tpu.memory_space<hbm>> -> memref<16384xi32, #tpu.memory_space<hbm>>
    tpu.enqueue_dma source(%dma_start3A_278 : memref<16384xi32, #tpu.memory_space<hbm>>) target(%arg6 : memref<16384xi32, #tpu.memory_space<vmem>>) target_semaphore(%arg9 : memref<!tpu.dma_semaphore, #tpu.memory_space<semaphore_mem>>)
    %dma_wait3A_279 = arith.constant 0 : i32
    %dma_wait3A_280 = tpu.memref_slice %arg2[%dma_wait3A_279] : memref<4194304xi32, #tpu.memory_space<hbm>> -> memref<16384xi32, #tpu.memory_space<hbm>>
    %dma_wait3A_281 = arith.constant 0 : i32
    %dma_wait3A_282 = tpu.memref_slice %arg2[%dma_wait3A_281] : memref<4194304xi32, #tpu.memory_space<hbm>> -> memref<16384xi32, #tpu.memory_space<hbm>>
    tpu.wait_dma2 semaphore(%arg10 : memref<!tpu.dma_semaphore, #tpu.memory_space<semaphore_mem>>) src(%dma_wait3A_282 : memref<16384xi32, #tpu.memory_space<hbm>>) dst(%arg7 : memref<16384xi32, #tpu.memory_space<vmem>>)
    %parallel_loop3A_283 = arith.constant 0 : i32
    %parallel_loop3A_284 = arith.constant 1024 : i32
    %parallel_loop3A_285 = arith.constant 1 : i32
    scf.for %parallel_loop3A_470 = %parallel_loop3A_283 to %parallel_loop3A_284 step %parallel_loop3A_285  : i32 {
      %parallel_loop3A_471 = arith.constant 16 : i32
      %parallel_loop3A_472 = arith.muli %parallel_loop3A_470, %parallel_loop3A_471 : i32
      %parallel_loop3A_473 = arith.index_cast %parallel_loop3A_472 : i32 to index
      %parallel_loop3A_474 = tpu.vector_load %arg7[%parallel_loop3A_473] {strides = array<i32>} : memref<16384xi32, #tpu.memory_space<vmem>>, vector<16xi32>,
      tpu.vector_store_idx %arg8[%parallel_loop3A_474], %broadcast_in_dim3A_3 {add = true} : memref<65536xi32, #tpu.memory_space<vmem>>[vector<16xi32>], vector<16xi32>,
    } {sc.loop_unroll_factor = 8 : i64, sc.parallel_access}
    %add3A_286 = arith.constant 81920 : i32
    %add3A_287 = arith.addi %mul3A_5, %add3A_286 : i32
    %dma_start3A_288 = tpu.memref_slice %arg3[%add3A_287] : memref<4194304xi32, #tpu.memory_space<hbm>> -> memref<16384xi32, #tpu.memory_space<hbm>>
    %dma_start3A_289 = tpu.memref_slice %arg3[%add3A_287] : memref<4194304xi32, #tpu.memory_space<hbm>> -> memref<16384xi32, #tpu.memory_space<hbm>>
    tpu.enqueue_dma source(%dma_start3A_289 : memref<16384xi32, #tpu.memory_space<hbm>>) target(%arg7 : memref<16384xi32, #tpu.memory_space<vmem>>) target_semaphore(%arg10 : memref<!tpu.dma_semaphore, #tpu.memory_space<semaphore_mem>>)
    %dma_wait3A_290 = arith.constant 0 : i32
    %dma_wait3A_291 = tpu.memref_slice %arg2[%dma_wait3A_290] : memref<4194304xi32, #tpu.memory_space<hbm>> -> memref<16384xi32, #tpu.memory_space<hbm>>
    %dma_wait3A_292 = arith.constant 0 : i32
    %dma_wait3A_293 = tpu.memref_slice %arg2[%dma_wait3A_292] : memref<4194304xi32, #tpu.memory_space<hbm>> -> memref<16384xi32, #tpu.memory_space<hbm>>
    tpu.wait_dma2 semaphore(%arg9 : memref<!tpu.dma_semaphore, #tpu.memory_space<semaphore_mem>>) src(%dma_wait3A_293 : memref<16384xi32, #tpu.memory_space<hbm>>) dst(%arg6 : memref<16384xi32, #tpu.memory_space<vmem>>)
    %parallel_loop3A_294 = arith.constant 0 : i32
    %parallel_loop3A_295 = arith.constant 1024 : i32
    %parallel_loop3A_296 = arith.constant 1 : i32
    scf.for %parallel_loop3A_470 = %parallel_loop3A_294 to %parallel_loop3A_295 step %parallel_loop3A_296  : i32 {
      %parallel_loop3A_471 = arith.constant 16 : i32
      %parallel_loop3A_472 = arith.muli %parallel_loop3A_470, %parallel_loop3A_471 : i32
      %parallel_loop3A_473 = arith.index_cast %parallel_loop3A_472 : i32 to index
      %parallel_loop3A_474 = tpu.vector_load %arg6[%parallel_loop3A_473] {strides = array<i32>} : memref<16384xi32, #tpu.memory_space<vmem>>, vector<16xi32>,
      tpu.vector_store_idx %arg8[%parallel_loop3A_474], %broadcast_in_dim3A_3 {add = true} : memref<65536xi32, #tpu.memory_space<vmem>>[vector<16xi32>], vector<16xi32>,
    } {sc.loop_unroll_factor = 8 : i64, sc.parallel_access}
    %add3A_297 = arith.constant 98304 : i32
    %add3A_298 = arith.addi %mul3A_5, %add3A_297 : i32
    %dma_start3A_299 = tpu.memref_slice %arg3[%add3A_298] : memref<4194304xi32, #tpu.memory_space<hbm>> -> memref<16384xi32, #tpu.memory_space<hbm>>
    %dma_start3A_300 = tpu.memref_slice %arg3[%add3A_298] : memref<4194304xi32, #tpu.memory_space<hbm>> -> memref<16384xi32, #tpu.memory_space<hbm>>
    tpu.enqueue_dma source(%dma_start3A_300 : memref<16384xi32, #tpu.memory_space<hbm>>) target(%arg6 : memref<16384xi32, #tpu.memory_space<vmem>>) target_semaphore(%arg9 : memref<!tpu.dma_semaphore, #tpu.memory_space<semaphore_mem>>)
    %dma_wait3A_301 = arith.constant 0 : i32
    %dma_wait3A_302 = tpu.memref_slice %arg2[%dma_wait3A_301] : memref<4194304xi32, #tpu.memory_space<hbm>> -> memref<16384xi32, #tpu.memory_space<hbm>>
    %dma_wait3A_303 = arith.constant 0 : i32
    %dma_wait3A_304 = tpu.memref_slice %arg2[%dma_wait3A_303] : memref<4194304xi32, #tpu.memory_space<hbm>> -> memref<16384xi32, #tpu.memory_space<hbm>>
    tpu.wait_dma2 semaphore(%arg10 : memref<!tpu.dma_semaphore, #tpu.memory_space<semaphore_mem>>) src(%dma_wait3A_304 : memref<16384xi32, #tpu.memory_space<hbm>>) dst(%arg7 : memref<16384xi32, #tpu.memory_space<vmem>>)
    %parallel_loop3A_305 = arith.constant 0 : i32
    %parallel_loop3A_306 = arith.constant 1024 : i32
    %parallel_loop3A_307 = arith.constant 1 : i32
    scf.for %parallel_loop3A_470 = %parallel_loop3A_305 to %parallel_loop3A_306 step %parallel_loop3A_307  : i32 {
      %parallel_loop3A_471 = arith.constant 16 : i32
      %parallel_loop3A_472 = arith.muli %parallel_loop3A_470, %parallel_loop3A_471 : i32
      %parallel_loop3A_473 = arith.index_cast %parallel_loop3A_472 : i32 to index
      %parallel_loop3A_474 = tpu.vector_load %arg7[%parallel_loop3A_473] {strides = array<i32>} : memref<16384xi32, #tpu.memory_space<vmem>>, vector<16xi32>,
      tpu.vector_store_idx %arg8[%parallel_loop3A_474], %broadcast_in_dim3A_3 {add = true} : memref<65536xi32, #tpu.memory_space<vmem>>[vector<16xi32>], vector<16xi32>,
    } {sc.loop_unroll_factor = 8 : i64, sc.parallel_access}
    %add3A_308 = arith.constant 114688 : i32
    %add3A_309 = arith.addi %mul3A_5, %add3A_308 : i32
    %dma_start3A_310 = tpu.memref_slice %arg3[%add3A_309] : memref<4194304xi32, #tpu.memory_space<hbm>> -> memref<16384xi32, #tpu.memory_space<hbm>>
    %dma_start3A_311 = tpu.memref_slice %arg3[%add3A_309] : memref<4194304xi32, #tpu.memory_space<hbm>> -> memref<16384xi32, #tpu.memory_space<hbm>>
    tpu.enqueue_dma source(%dma_start3A_311 : memref<16384xi32, #tpu.memory_space<hbm>>) target(%arg7 : memref<16384xi32, #tpu.memory_space<vmem>>) target_semaphore(%arg10 : memref<!tpu.dma_semaphore, #tpu.memory_space<semaphore_mem>>)
    %dma_wait3A_312 = arith.constant 0 : i32
    %dma_wait3A_313 = tpu.memref_slice %arg2[%dma_wait3A_312] : memref<4194304xi32, #tpu.memory_space<hbm>> -> memref<16384xi32, #tpu.memory_space<hbm>>
    %dma_wait3A_314 = arith.constant 0 : i32
    %dma_wait3A_315 = tpu.memref_slice %arg2[%dma_wait3A_314] : memref<4194304xi32, #tpu.memory_space<hbm>> -> memref<16384xi32, #tpu.memory_space<hbm>>
    tpu.wait_dma2 semaphore(%arg9 : memref<!tpu.dma_semaphore, #tpu.memory_space<semaphore_mem>>) src(%dma_wait3A_315 : memref<16384xi32, #tpu.memory_space<hbm>>) dst(%arg6 : memref<16384xi32, #tpu.memory_space<vmem>>)
    %parallel_loop3A_316 = arith.constant 0 : i32
    %parallel_loop3A_317 = arith.constant 1024 : i32
    %parallel_loop3A_318 = arith.constant 1 : i32
    scf.for %parallel_loop3A_470 = %parallel_loop3A_316 to %parallel_loop3A_317 step %parallel_loop3A_318  : i32 {
      %parallel_loop3A_471 = arith.constant 16 : i32
      %parallel_loop3A_472 = arith.muli %parallel_loop3A_470, %parallel_loop3A_471 : i32
      %parallel_loop3A_473 = arith.index_cast %parallel_loop3A_472 : i32 to index
      %parallel_loop3A_474 = tpu.vector_load %arg6[%parallel_loop3A_473] {strides = array<i32>} : memref<16384xi32, #tpu.memory_space<vmem>>, vector<16xi32>,
      tpu.vector_store_idx %arg8[%parallel_loop3A_474], %broadcast_in_dim3A_3 {add = true} : memref<65536xi32, #tpu.memory_space<vmem>>[vector<16xi32>], vector<16xi32>,
    } {sc.loop_unroll_factor = 8 : i64, sc.parallel_access}
    %dma_wait3A_319 = arith.constant 0 : i32
    %dma_wait3A_320 = tpu.memref_slice %arg2[%dma_wait3A_319] : memref<4194304xi32, #tpu.memory_space<hbm>> -> memref<16384xi32, #tpu.memory_space<hbm>>
    %dma_wait3A_321 = arith.constant 0 : i32
    %dma_wait3A_322 = tpu.memref_slice %arg2[%dma_wait3A_321] : memref<4194304xi32, #tpu.memory_space<hbm>> -> memref<16384xi32, #tpu.memory_space<hbm>>
    tpu.wait_dma2 semaphore(%arg10 : memref<!tpu.dma_semaphore, #tpu.memory_space<semaphore_mem>>) src(%dma_wait3A_322 : memref<16384xi32, #tpu.memory_space<hbm>>) dst(%arg7 : memref<16384xi32, #tpu.memory_space<vmem>>)
    %parallel_loop3A_323 = arith.constant 0 : i32
    %parallel_loop3A_324 = arith.constant 1024 : i32
    %parallel_loop3A_325 = arith.constant 1 : i32
    scf.for %parallel_loop3A_470 = %parallel_loop3A_323 to %parallel_loop3A_324 step %parallel_loop3A_325  : i32 {
      %parallel_loop3A_471 = arith.constant 16 : i32
      %parallel_loop3A_472 = arith.muli %parallel_loop3A_470, %parallel_loop3A_471 : i32
      %parallel_loop3A_473 = arith.index_cast %parallel_loop3A_472 : i32 to index
      %parallel_loop3A_474 = tpu.vector_load %arg7[%parallel_loop3A_473] {strides = array<i32>} : memref<16384xi32, #tpu.memory_space<vmem>>, vector<16xi32>,
      tpu.vector_store_idx %arg8[%parallel_loop3A_474], %broadcast_in_dim3A_3 {add = true} : memref<65536xi32, #tpu.memory_space<vmem>>[vector<16xi32>], vector<16xi32>,
    } {sc.loop_unroll_factor = 8 : i64, sc.parallel_access}
    %mul3A_326 = arith.constant 8192 : i32
    %mul3A_327 = arith.muli %add3A, %mul3A_326 : i32
    %add3A_328 = arith.constant 0 : i32
    %add3A_329 = arith.addi %add3A_328, %mul3A_327 : i32
    %dma_start3A_330 = arith.constant 0 : i32
    %dma_start3A_331 = tpu.memref_slice %arg8[%dma_start3A_330] : memref<65536xi32, #tpu.memory_space<vmem>> -> memref<8192xi32, #tpu.memory_space<vmem>>
    %dma_start3A_332 = tpu.memref_slice %arg5[%add3A_329] : memref<2097152xi32, #tpu.memory_space<hbm>> -> memref<8192xi32, #tpu.memory_space<hbm>>
    %dma_start3A_333 = tpu.memref_slice %arg5[%add3A_329] : memref<2097152xi32, #tpu.memory_space<hbm>> -> memref<8192xi32, #tpu.memory_space<hbm>>
    %dma_start3A_334 = arith.constant 0 : i32
    %dma_start3A_335 = tpu.memref_slice %arg8[%dma_start3A_334] : memref<65536xi32, #tpu.memory_space<vmem>> -> memref<8192xi32, #tpu.memory_space<vmem>>
    tpu.enqueue_dma source(%dma_start3A_335 : memref<8192xi32, #tpu.memory_space<vmem>>) target(%dma_start3A_333 : memref<8192xi32, #tpu.memory_space<hbm>>) target_semaphore(%arg11 : memref<!tpu.dma_semaphore, #tpu.memory_space<semaphore_mem>>)
    %mul3A_336 = arith.constant 8192 : i32
    %mul3A_337 = arith.muli %add3A, %mul3A_336 : i32
    %add3A_338 = arith.constant 262144 : i32
    %add3A_339 = arith.addi %add3A_338, %mul3A_337 : i32
    %dma_start3A_340 = arith.constant 8192 : i32
    %dma_start3A_341 = tpu.memref_slice %arg8[%dma_start3A_340] : memref<65536xi32, #tpu.memory_space<vmem>> -> memref<8192xi32, #tpu.memory_space<vmem>>
    %dma_start3A_342 = tpu.memref_slice %arg5[%add3A_339] : memref<2097152xi32, #tpu.memory_space<hbm>> -> memref<8192xi32, #tpu.memory_space<hbm>>
    %dma_start3A_343 = tpu.memref_slice %arg5[%add3A_339] : memref<2097152xi32, #tpu.memory_space<hbm>> -> memref<8192xi32, #tpu.memory_space<hbm>>
    %dma_start3A_344 = arith.constant 8192 : i32
    %dma_start3A_345 = tpu.memref_slice %arg8[%dma_start3A_344] : memref<65536xi32, #tpu.memory_space<vmem>> -> memref<8192xi32, #tpu.memory_space<vmem>>
    tpu.enqueue_dma source(%dma_start3A_345 : memref<8192xi32, #tpu.memory_space<vmem>>) target(%dma_start3A_343 : memref<8192xi32, #tpu.memory_space<hbm>>) target_semaphore(%arg11 : memref<!tpu.dma_semaphore, #tpu.memory_space<semaphore_mem>>)
    %mul3A_346 = arith.constant 8192 : i32
    %mul3A_347 = arith.muli %add3A, %mul3A_346 : i32
    %add3A_348 = arith.constant 524288 : i32
    %add3A_349 = arith.addi %add3A_348, %mul3A_347 : i32
    %dma_start3A_350 = arith.constant 16384 : i32
    %dma_start3A_351 = tpu.memref_slice %arg8[%dma_start3A_350] : memref<65536xi32, #tpu.memory_space<vmem>> -> memref<8192xi32, #tpu.memory_space<vmem>>
    %dma_start3A_352 = tpu.memref_slice %arg5[%add3A_349] : memref<2097152xi32, #tpu.memory_space<hbm>> -> memref<8192xi32, #tpu.memory_space<hbm>>
    %dma_start3A_353 = tpu.memref_slice %arg5[%add3A_349] : memref<2097152xi32, #tpu.memory_space<hbm>> -> memref<8192xi32, #tpu.memory_space<hbm>>
    %dma_start3A_354 = arith.constant 16384 : i32
    %dma_start3A_355 = tpu.memref_slice %arg8[%dma_start3A_354] : memref<65536xi32, #tpu.memory_space<vmem>> -> memref<8192xi32, #tpu.memory_space<vmem>>
    tpu.enqueue_dma source(%dma_start3A_355 : memref<8192xi32, #tpu.memory_space<vmem>>) target(%dma_start3A_353 : memref<8192xi32, #tpu.memory_space<hbm>>) target_semaphore(%arg11 : memref<!tpu.dma_semaphore, #tpu.memory_space<semaphore_mem>>)
    %mul3A_356 = arith.constant 8192 : i32
    %mul3A_357 = arith.muli %add3A, %mul3A_356 : i32
    %add3A_358 = arith.constant 786432 : i32
    %add3A_359 = arith.addi %add3A_358, %mul3A_357 : i32
    %dma_start3A_360 = arith.constant 24576 : i32
    %dma_start3A_361 = tpu.memref_slice %arg8[%dma_start3A_360] : memref<65536xi32, #tpu.memory_space<vmem>> -> memref<8192xi32, #tpu.memory_space<vmem>>
    %dma_start3A_362 = tpu.memref_slice %arg5[%add3A_359] : memref<2097152xi32, #tpu.memory_space<hbm>> -> memref<8192xi32, #tpu.memory_space<hbm>>
    %dma_start3A_363 = tpu.memref_slice %arg5[%add3A_359] : memref<2097152xi32, #tpu.memory_space<hbm>> -> memref<8192xi32, #tpu.memory_space<hbm>>
    %dma_start3A_364 = arith.constant 24576 : i32
    %dma_start3A_365 = tpu.memref_slice %arg8[%dma_start3A_364] : memref<65536xi32, #tpu.memory_space<vmem>> -> memref<8192xi32, #tpu.memory_space<vmem>>
    tpu.enqueue_dma source(%dma_start3A_365 : memref<8192xi32, #tpu.memory_space<vmem>>) target(%dma_start3A_363 : memref<8192xi32, #tpu.memory_space<hbm>>) target_semaphore(%arg11 : memref<!tpu.dma_semaphore, #tpu.memory_space<semaphore_mem>>)
    %mul3A_366 = arith.constant 8192 : i32
    %mul3A_367 = arith.muli %add3A, %mul3A_366 : i32
    %add3A_368 = arith.constant 1048576 : i32
    %add3A_369 = arith.addi %add3A_368, %mul3A_367 : i32
    %dma_start3A_370 = arith.constant 32768 : i32
    %dma_start3A_371 = tpu.memref_slice %arg8[%dma_start3A_370] : memref<65536xi32, #tpu.memory_space<vmem>> -> memref<8192xi32, #tpu.memory_space<vmem>>
    %dma_start3A_372 = tpu.memref_slice %arg5[%add3A_369] : memref<2097152xi32, #tpu.memory_space<hbm>> -> memref<8192xi32, #tpu.memory_space<hbm>>
    %dma_start3A_373 = tpu.memref_slice %arg5[%add3A_369] : memref<2097152xi32, #tpu.memory_space<hbm>> -> memref<8192xi32, #tpu.memory_space<hbm>>
    %dma_start3A_374 = arith.constant 32768 : i32
    %dma_start3A_375 = tpu.memref_slice %arg8[%dma_start3A_374] : memref<65536xi32, #tpu.memory_space<vmem>> -> memref<8192xi32, #tpu.memory_space<vmem>>
    tpu.enqueue_dma source(%dma_start3A_375 : memref<8192xi32, #tpu.memory_space<vmem>>) target(%dma_start3A_373 : memref<8192xi32, #tpu.memory_space<hbm>>) target_semaphore(%arg11 : memref<!tpu.dma_semaphore, #tpu.memory_space<semaphore_mem>>)
    %mul3A_376 = arith.constant 8192 : i32
    %mul3A_377 = arith.muli %add3A, %mul3A_376 : i32
    %add3A_378 = arith.constant 1310720 : i32
    %add3A_379 = arith.addi %add3A_378, %mul3A_377 : i32
    %dma_start3A_380 = arith.constant 40960 : i32
    %dma_start3A_381 = tpu.memref_slice %arg8[%dma_start3A_380] : memref<65536xi32, #tpu.memory_space<vmem>> -> memref<8192xi32, #tpu.memory_space<vmem>>
    %dma_start3A_382 = tpu.memref_slice %arg5[%add3A_379] : memref<2097152xi32, #tpu.memory_space<hbm>> -> memref<8192xi32, #tpu.memory_space<hbm>>
    %dma_start3A_383 = tpu.memref_slice %arg5[%add3A_379] : memref<2097152xi32, #tpu.memory_space<hbm>> -> memref<8192xi32, #tpu.memory_space<hbm>>
    %dma_start3A_384 = arith.constant 40960 : i32
    %dma_start3A_385 = tpu.memref_slice %arg8[%dma_start3A_384] : memref<65536xi32, #tpu.memory_space<vmem>> -> memref<8192xi32, #tpu.memory_space<vmem>>
    tpu.enqueue_dma source(%dma_start3A_385 : memref<8192xi32, #tpu.memory_space<vmem>>) target(%dma_start3A_383 : memref<8192xi32, #tpu.memory_space<hbm>>) target_semaphore(%arg11 : memref<!tpu.dma_semaphore, #tpu.memory_space<semaphore_mem>>)
    %mul3A_386 = arith.constant 8192 : i32
    %mul3A_387 = arith.muli %add3A, %mul3A_386 : i32
    %add3A_388 = arith.constant 1572864 : i32
    %add3A_389 = arith.addi %add3A_388, %mul3A_387 : i32
    %dma_start3A_390 = arith.constant 49152 : i32
    %dma_start3A_391 = tpu.memref_slice %arg8[%dma_start3A_390] : memref<65536xi32, #tpu.memory_space<vmem>> -> memref<8192xi32, #tpu.memory_space<vmem>>
    %dma_start3A_392 = tpu.memref_slice %arg5[%add3A_389] : memref<2097152xi32, #tpu.memory_space<hbm>> -> memref<8192xi32, #tpu.memory_space<hbm>>
    %dma_start3A_393 = tpu.memref_slice %arg5[%add3A_389] : memref<2097152xi32, #tpu.memory_space<hbm>> -> memref<8192xi32, #tpu.memory_space<hbm>>
    %dma_start3A_394 = arith.constant 49152 : i32
    %dma_start3A_395 = tpu.memref_slice %arg8[%dma_start3A_394] : memref<65536xi32, #tpu.memory_space<vmem>> -> memref<8192xi32, #tpu.memory_space<vmem>>
    tpu.enqueue_dma source(%dma_start3A_395 : memref<8192xi32, #tpu.memory_space<vmem>>) target(%dma_start3A_393 : memref<8192xi32, #tpu.memory_space<hbm>>) target_semaphore(%arg11 : memref<!tpu.dma_semaphore, #tpu.memory_space<semaphore_mem>>)
    %mul3A_396 = arith.constant 8192 : i32
    %mul3A_397 = arith.muli %add3A, %mul3A_396 : i32
    %add3A_398 = arith.constant 1835008 : i32
    %add3A_399 = arith.addi %add3A_398, %mul3A_397 : i32
    %dma_start3A_400 = arith.constant 57344 : i32
    %dma_start3A_401 = tpu.memref_slice %arg8[%dma_start3A_400] : memref<65536xi32, #tpu.memory_space<vmem>> -> memref<8192xi32, #tpu.memory_space<vmem>>
    %dma_start3A_402 = tpu.memref_slice %arg5[%add3A_399] : memref<2097152xi32, #tpu.memory_space<hbm>> -> memref<8192xi32, #tpu.memory_space<hbm>>
    %dma_start3A_403 = tpu.memref_slice %arg5[%add3A_399] : memref<2097152xi32, #tpu.memory_space<hbm>> -> memref<8192xi32, #tpu.memory_space<hbm>>
    %dma_start3A_404 = arith.constant 57344 : i32
    %dma_start3A_405 = tpu.memref_slice %arg8[%dma_start3A_404] : memref<65536xi32, #tpu.memory_space<vmem>> -> memref<8192xi32, #tpu.memory_space<vmem>>
    tpu.enqueue_dma source(%dma_start3A_405 : memref<8192xi32, #tpu.memory_space<vmem>>) target(%dma_start3A_403 : memref<8192xi32, #tpu.memory_space<hbm>>) target_semaphore(%arg11 : memref<!tpu.dma_semaphore, #tpu.memory_space<semaphore_mem>>)
    %dma_wait3A_406 = arith.constant 0 : i32
    %dma_wait3A_407 = tpu.memref_slice %arg8[%dma_wait3A_406] : memref<65536xi32, #tpu.memory_space<vmem>> -> memref<8192xi32, #tpu.memory_space<vmem>>
    %dma_wait3A_408 = arith.constant 0 : i32
    %dma_wait3A_409 = tpu.memref_slice %arg5[%dma_wait3A_408] : memref<2097152xi32, #tpu.memory_space<hbm>> -> memref<8192xi32, #tpu.memory_space<hbm>>
    %dma_wait3A_410 = arith.constant 0 : i32
    %dma_wait3A_411 = tpu.memref_slice %arg5[%dma_wait3A_410] : memref<2097152xi32, #tpu.memory_space<hbm>> -> memref<8192xi32, #tpu.memory_space<hbm>>
    %dma_wait3A_412 = arith.constant 0 : i32
    %dma_wait3A_413 = tpu.memref_slice %arg8[%dma_wait3A_412] : memref<65536xi32, #tpu.memory_space<vmem>> -> memref<8192xi32, #tpu.memory_space<vmem>>
    tpu.wait_dma2 semaphore(%arg11 : memref<!tpu.dma_semaphore, #tpu.memory_space<semaphore_mem>>) src(%dma_wait3A_413 : memref<8192xi32, #tpu.memory_space<vmem>>) dst(%dma_wait3A_411 : memref<8192xi32, #tpu.memory_space<hbm>>)
    %dma_wait3A_414 = arith.constant 0 : i32
    %dma_wait3A_415 = tpu.memref_slice %arg8[%dma_wait3A_414] : memref<65536xi32, #tpu.memory_space<vmem>> -> memref<8192xi32, #tpu.memory_space<vmem>>
    %dma_wait3A_416 = arith.constant 0 : i32
    %dma_wait3A_417 = tpu.memref_slice %arg5[%dma_wait3A_416] : memref<2097152xi32, #tpu.memory_space<hbm>> -> memref<8192xi32, #tpu.memory_space<hbm>>
    %dma_wait3A_418 = arith.constant 0 : i32
    %dma_wait3A_419 = tpu.memref_slice %arg5[%dma_wait3A_418] : memref<2097152xi32, #tpu.memory_space<hbm>> -> memref<8192xi32, #tpu.memory_space<hbm>>
    %dma_wait3A_420 = arith.constant 0 : i32
    %dma_wait3A_421 = tpu.memref_slice %arg8[%dma_wait3A_420] : memref<65536xi32, #tpu.memory_space<vmem>> -> memref<8192xi32, #tpu.memory_space<vmem>>
    tpu.wait_dma2 semaphore(%arg11 : memref<!tpu.dma_semaphore, #tpu.memory_space<semaphore_mem>>) src(%dma_wait3A_421 : memref<8192xi32, #tpu.memory_space<vmem>>) dst(%dma_wait3A_419 : memref<8192xi32, #tpu.memory_space<hbm>>)
    %dma_wait3A_422 = arith.constant 0 : i32
    %dma_wait3A_423 = tpu.memref_slice %arg8[%dma_wait3A_422] : memref<65536xi32, #tpu.memory_space<vmem>> -> memref<8192xi32, #tpu.memory_space<vmem>>
    %dma_wait3A_424 = arith.constant 0 : i32
    %dma_wait3A_425 = tpu.memref_slice %arg5[%dma_wait3A_424] : memref<2097152xi32, #tpu.memory_space<hbm>> -> memref<8192xi32, #tpu.memory_space<hbm>>
    %dma_wait3A_426 = arith.constant 0 : i32
    %dma_wait3A_427 = tpu.memref_slice %arg5[%dma_wait3A_426] : memref<2097152xi32, #tpu.memory_space<hbm>> -> memref<8192xi32, #tpu.memory_space<hbm>>
    %dma_wait3A_428 = arith.constant 0 : i32
    %dma_wait3A_429 = tpu.memref_slice %arg8[%dma_wait3A_428] : memref<65536xi32, #tpu.memory_space<vmem>> -> memref<8192xi32, #tpu.memory_space<vmem>>
    tpu.wait_dma2 semaphore(%arg11 : memref<!tpu.dma_semaphore, #tpu.memory_space<semaphore_mem>>) src(%dma_wait3A_429 : memref<8192xi32, #tpu.memory_space<vmem>>) dst(%dma_wait3A_427 : memref<8192xi32, #tpu.memory_space<hbm>>)
    %dma_wait3A_430 = arith.constant 0 : i32
    %dma_wait3A_431 = tpu.memref_slice %arg8[%dma_wait3A_430] : memref<65536xi32, #tpu.memory_space<vmem>> -> memref<8192xi32, #tpu.memory_space<vmem>>
    %dma_wait3A_432 = arith.constant 0 : i32
    %dma_wait3A_433 = tpu.memref_slice %arg5[%dma_wait3A_432] : memref<2097152xi32, #tpu.memory_space<hbm>> -> memref<8192xi32, #tpu.memory_space<hbm>>
    %dma_wait3A_434 = arith.constant 0 : i32
    %dma_wait3A_435 = tpu.memref_slice %arg5[%dma_wait3A_434] : memref<2097152xi32, #tpu.memory_space<hbm>> -> memref<8192xi32, #tpu.memory_space<hbm>>
    %dma_wait3A_436 = arith.constant 0 : i32
    %dma_wait3A_437 = tpu.memref_slice %arg8[%dma_wait3A_436] : memref<65536xi32, #tpu.memory_space<vmem>> -> memref<8192xi32, #tpu.memory_space<vmem>>
    tpu.wait_dma2 semaphore(%arg11 : memref<!tpu.dma_semaphore, #tpu.memory_space<semaphore_mem>>) src(%dma_wait3A_437 : memref<8192xi32, #tpu.memory_space<vmem>>) dst(%dma_wait3A_435 : memref<8192xi32, #tpu.memory_space<hbm>>)
    %dma_wait3A_438 = arith.constant 0 : i32
    %dma_wait3A_439 = tpu.memref_slice %arg8[%dma_wait3A_438] : memref<65536xi32, #tpu.memory_space<vmem>> -> memref<8192xi32, #tpu.memory_space<vmem>>
    %dma_wait3A_440 = arith.constant 0 : i32
    %dma_wait3A_441 = tpu.memref_slice %arg5[%dma_wait3A_440] : memref<2097152xi32, #tpu.memory_space<hbm>> -> memref<8192xi32, #tpu.memory_space<hbm>>
    %dma_wait3A_442 = arith.constant 0 : i32
    %dma_wait3A_443 = tpu.memref_slice %arg5[%dma_wait3A_442] : memref<2097152xi32, #tpu.memory_space<hbm>> -> memref<8192xi32, #tpu.memory_space<hbm>>
    %dma_wait3A_444 = arith.constant 0 : i32
    %dma_wait3A_445 = tpu.memref_slice %arg8[%dma_wait3A_444] : memref<65536xi32, #tpu.memory_space<vmem>> -> memref<8192xi32, #tpu.memory_space<vmem>>
    tpu.wait_dma2 semaphore(%arg11 : memref<!tpu.dma_semaphore, #tpu.memory_space<semaphore_mem>>) src(%dma_wait3A_445 : memref<8192xi32, #tpu.memory_space<vmem>>) dst(%dma_wait3A_443 : memref<8192xi32, #tpu.memory_space<hbm>>)
    %dma_wait3A_446 = arith.constant 0 : i32
    %dma_wait3A_447 = tpu.memref_slice %arg8[%dma_wait3A_446] : memref<65536xi32, #tpu.memory_space<vmem>> -> memref<8192xi32, #tpu.memory_space<vmem>>
    %dma_wait3A_448 = arith.constant 0 : i32
    %dma_wait3A_449 = tpu.memref_slice %arg5[%dma_wait3A_448] : memref<2097152xi32, #tpu.memory_space<hbm>> -> memref<8192xi32, #tpu.memory_space<hbm>>
    %dma_wait3A_450 = arith.constant 0 : i32
    %dma_wait3A_451 = tpu.memref_slice %arg5[%dma_wait3A_450] : memref<2097152xi32, #tpu.memory_space<hbm>> -> memref<8192xi32, #tpu.memory_space<hbm>>
    %dma_wait3A_452 = arith.constant 0 : i32
    %dma_wait3A_453 = tpu.memref_slice %arg8[%dma_wait3A_452] : memref<65536xi32, #tpu.memory_space<vmem>> -> memref<8192xi32, #tpu.memory_space<vmem>>
    tpu.wait_dma2 semaphore(%arg11 : memref<!tpu.dma_semaphore, #tpu.memory_space<semaphore_mem>>) src(%dma_wait3A_453 : memref<8192xi32, #tpu.memory_space<vmem>>) dst(%dma_wait3A_451 : memref<8192xi32, #tpu.memory_space<hbm>>)
    %dma_wait3A_454 = arith.constant 0 : i32
    %dma_wait3A_455 = tpu.memref_slice %arg8[%dma_wait3A_454] : memref<65536xi32, #tpu.memory_space<vmem>> -> memref<8192xi32, #tpu.memory_space<vmem>>
    %dma_wait3A_456 = arith.constant 0 : i32
    %dma_wait3A_457 = tpu.memref_slice %arg5[%dma_wait3A_456] : memref<2097152xi32, #tpu.memory_space<hbm>> -> memref<8192xi32, #tpu.memory_space<hbm>>
    %dma_wait3A_458 = arith.constant 0 : i32
    %dma_wait3A_459 = tpu.memref_slice %arg5[%dma_wait3A_458] : memref<2097152xi32, #tpu.memory_space<hbm>> -> memref<8192xi32, #tpu.memory_space<hbm>>
    %dma_wait3A_460 = arith.constant 0 : i32
    %dma_wait3A_461 = tpu.memref_slice %arg8[%dma_wait3A_460] : memref<65536xi32, #tpu.memory_space<vmem>> -> memref<8192xi32, #tpu.memory_space<vmem>>
    tpu.wait_dma2 semaphore(%arg11 : memref<!tpu.dma_semaphore, #tpu.memory_space<semaphore_mem>>) src(%dma_wait3A_461 : memref<8192xi32, #tpu.memory_space<vmem>>) dst(%dma_wait3A_459 : memref<8192xi32, #tpu.memory_space<hbm>>)
    %dma_wait3A_462 = arith.constant 0 : i32
    %dma_wait3A_463 = tpu.memref_slice %arg8[%dma_wait3A_462] : memref<65536xi32, #tpu.memory_space<vmem>> -> memref<8192xi32, #tpu.memory_space<vmem>>
    %dma_wait3A_464 = arith.constant 0 : i32
    %dma_wait3A_465 = tpu.memref_slice %arg5[%dma_wait3A_464] : memref<2097152xi32, #tpu.memory_space<hbm>> -> memref<8192xi32, #tpu.memory_space<hbm>>
    %dma_wait3A_466 = arith.constant 0 : i32
    %dma_wait3A_467 = tpu.memref_slice %arg5[%dma_wait3A_466] : memref<2097152xi32, #tpu.memory_space<hbm>> -> memref<8192xi32, #tpu.memory_space<hbm>>
    %dma_wait3A_468 = arith.constant 0 : i32
    %dma_wait3A_469 = tpu.memref_slice %arg8[%dma_wait3A_468] : memref<65536xi32, #tpu.memory_space<vmem>> -> memref<8192xi32, #tpu.memory_space<vmem>>
    tpu.wait_dma2 semaphore(%arg11 : memref<!tpu.dma_semaphore, #tpu.memory_space<semaphore_mem>>) src(%dma_wait3A_469 : memref<8192xi32, #tpu.memory_space<vmem>>) dst(%dma_wait3A_467 : memref<8192xi32, #tpu.memory_space<hbm>>)
    return
  }
}

module attributes {stable_mosaic.version = 14 : i64} {
  func.func @_mlp_body(%arg0: i32, %arg1: memref<262144xi32, #tpu.memory_space<vmem>>, %arg2: memref<262144xi32, #tpu.memory_space<vmem>>, %arg3: memref<256x3xbf16, #tpu.memory_space<vmem>>, %arg4: memref<256x1xf32, #tpu.memory_space<vmem>>, %arg5: memref<1x1xf32, #tpu.memory_space<vmem>>, %arg6: memref<1x8192xf32, #tpu.memory_space<vmem>>) attributes {dimension_semantics = [#tpu.dimension_semantics<arbitrary>], iteration_bounds = array<i64: 8>, scalar_prefetch = 0 : i64, scratch_operands = 0 : i64, tpu.core_type = #tpu.core_type<tc>, window_params = [{transform_indices = @transform_0, window_bounds = array<i64: 262144>}, {transform_indices = @transform_1, window_bounds = array<i64: 262144>}, {pipeline_mode = #tpu.pipeline_mode<synchronous>, transform_indices = @transform_2, window_bounds = array<i64: 256, 3>}, {pipeline_mode = #tpu.pipeline_mode<synchronous>, transform_indices = @transform_3, window_bounds = array<i64: 256, 1>}, {pipeline_mode = #tpu.pipeline_mode<synchronous>, transform_indices = @transform_4, window_bounds = array<i64: 1, 1>}, {transform_indices = @transform_5, window_bounds = array<i64: 1, 8192>}]} {
    %get3A = arith.constant 0 : index
    %get3A_0 = vector.load %arg1[%get3A] : memref<262144xi32, #tpu.memory_space<vmem>>, vector<8192xi32>
    %get3A_1 = arith.constant 0 : index
    %get3A_2 = vector.load %arg2[%get3A_1] : memref<262144xi32, #tpu.memory_space<vmem>>, vector<8192xi32>
    %get3A_3 = arith.constant 8192 : index
    %get3A_4 = vector.load %arg1[%get3A_3] : memref<262144xi32, #tpu.memory_space<vmem>>, vector<8192xi32>
    %add3A = arith.addi %get3A_0, %get3A_4 : vector<8192xi32>
    %get3A_5 = arith.constant 8192 : index
    %get3A_6 = vector.load %arg2[%get3A_5] : memref<262144xi32, #tpu.memory_space<vmem>>, vector<8192xi32>
    %add3A_7 = arith.addi %get3A_2, %get3A_6 : vector<8192xi32>
    %get3A_8 = arith.constant 16384 : index
    %get3A_9 = vector.load %arg1[%get3A_8] : memref<262144xi32, #tpu.memory_space<vmem>>, vector<8192xi32>
    %add3A_10 = arith.addi %add3A, %get3A_9 : vector<8192xi32>
    %get3A_11 = arith.constant 16384 : index
    %get3A_12 = vector.load %arg2[%get3A_11] : memref<262144xi32, #tpu.memory_space<vmem>>, vector<8192xi32>
    %add3A_13 = arith.addi %add3A_7, %get3A_12 : vector<8192xi32>
    %get3A_14 = arith.constant 24576 : index
    %get3A_15 = vector.load %arg1[%get3A_14] : memref<262144xi32, #tpu.memory_space<vmem>>, vector<8192xi32>
    %add3A_16 = arith.addi %add3A_10, %get3A_15 : vector<8192xi32>
    %get3A_17 = arith.constant 24576 : index
    %get3A_18 = vector.load %arg2[%get3A_17] : memref<262144xi32, #tpu.memory_space<vmem>>, vector<8192xi32>
    %add3A_19 = arith.addi %add3A_13, %get3A_18 : vector<8192xi32>
    %get3A_20 = arith.constant 32768 : index
    %get3A_21 = vector.load %arg1[%get3A_20] : memref<262144xi32, #tpu.memory_space<vmem>>, vector<8192xi32>
    %add3A_22 = arith.addi %add3A_16, %get3A_21 : vector<8192xi32>
    %get3A_23 = arith.constant 32768 : index
    %get3A_24 = vector.load %arg2[%get3A_23] : memref<262144xi32, #tpu.memory_space<vmem>>, vector<8192xi32>
    %add3A_25 = arith.addi %add3A_19, %get3A_24 : vector<8192xi32>
    %get3A_26 = arith.constant 40960 : index
    %get3A_27 = vector.load %arg1[%get3A_26] : memref<262144xi32, #tpu.memory_space<vmem>>, vector<8192xi32>
    %add3A_28 = arith.addi %add3A_22, %get3A_27 : vector<8192xi32>
    %get3A_29 = arith.constant 40960 : index
    %get3A_30 = vector.load %arg2[%get3A_29] : memref<262144xi32, #tpu.memory_space<vmem>>, vector<8192xi32>
    %add3A_31 = arith.addi %add3A_25, %get3A_30 : vector<8192xi32>
    %get3A_32 = arith.constant 49152 : index
    %get3A_33 = vector.load %arg1[%get3A_32] : memref<262144xi32, #tpu.memory_space<vmem>>, vector<8192xi32>
    %add3A_34 = arith.addi %add3A_28, %get3A_33 : vector<8192xi32>
    %get3A_35 = arith.constant 49152 : index
    %get3A_36 = vector.load %arg2[%get3A_35] : memref<262144xi32, #tpu.memory_space<vmem>>, vector<8192xi32>
    %add3A_37 = arith.addi %add3A_31, %get3A_36 : vector<8192xi32>
    %get3A_38 = arith.constant 57344 : index
    %get3A_39 = vector.load %arg1[%get3A_38] : memref<262144xi32, #tpu.memory_space<vmem>>, vector<8192xi32>
    %add3A_40 = arith.addi %add3A_34, %get3A_39 : vector<8192xi32>
    %get3A_41 = arith.constant 57344 : index
    %get3A_42 = vector.load %arg2[%get3A_41] : memref<262144xi32, #tpu.memory_space<vmem>>, vector<8192xi32>
    %add3A_43 = arith.addi %add3A_37, %get3A_42 : vector<8192xi32>
    %get3A_44 = arith.constant 65536 : index
    %get3A_45 = vector.load %arg1[%get3A_44] : memref<262144xi32, #tpu.memory_space<vmem>>, vector<8192xi32>
    %add3A_46 = arith.addi %add3A_40, %get3A_45 : vector<8192xi32>
    %get3A_47 = arith.constant 65536 : index
    %get3A_48 = vector.load %arg2[%get3A_47] : memref<262144xi32, #tpu.memory_space<vmem>>, vector<8192xi32>
    %add3A_49 = arith.addi %add3A_43, %get3A_48 : vector<8192xi32>
    %get3A_50 = arith.constant 73728 : index
    %get3A_51 = vector.load %arg1[%get3A_50] : memref<262144xi32, #tpu.memory_space<vmem>>, vector<8192xi32>
    %add3A_52 = arith.addi %add3A_46, %get3A_51 : vector<8192xi32>
    %get3A_53 = arith.constant 73728 : index
    %get3A_54 = vector.load %arg2[%get3A_53] : memref<262144xi32, #tpu.memory_space<vmem>>, vector<8192xi32>
    %add3A_55 = arith.addi %add3A_49, %get3A_54 : vector<8192xi32>
    %get3A_56 = arith.constant 81920 : index
    %get3A_57 = vector.load %arg1[%get3A_56] : memref<262144xi32, #tpu.memory_space<vmem>>, vector<8192xi32>
    %add3A_58 = arith.addi %add3A_52, %get3A_57 : vector<8192xi32>
    %get3A_59 = arith.constant 81920 : index
    %get3A_60 = vector.load %arg2[%get3A_59] : memref<262144xi32, #tpu.memory_space<vmem>>, vector<8192xi32>
    %add3A_61 = arith.addi %add3A_55, %get3A_60 : vector<8192xi32>
    %get3A_62 = arith.constant 90112 : index
    %get3A_63 = vector.load %arg1[%get3A_62] : memref<262144xi32, #tpu.memory_space<vmem>>, vector<8192xi32>
    %add3A_64 = arith.addi %add3A_58, %get3A_63 : vector<8192xi32>
    %get3A_65 = arith.constant 90112 : index
    %get3A_66 = vector.load %arg2[%get3A_65] : memref<262144xi32, #tpu.memory_space<vmem>>, vector<8192xi32>
    %add3A_67 = arith.addi %add3A_61, %get3A_66 : vector<8192xi32>
    %get3A_68 = arith.constant 98304 : index
    %get3A_69 = vector.load %arg1[%get3A_68] : memref<262144xi32, #tpu.memory_space<vmem>>, vector<8192xi32>
    %add3A_70 = arith.addi %add3A_64, %get3A_69 : vector<8192xi32>
    %get3A_71 = arith.constant 98304 : index
    %get3A_72 = vector.load %arg2[%get3A_71] : memref<262144xi32, #tpu.memory_space<vmem>>, vector<8192xi32>
    %add3A_73 = arith.addi %add3A_67, %get3A_72 : vector<8192xi32>
    %get3A_74 = arith.constant 106496 : index
    %get3A_75 = vector.load %arg1[%get3A_74] : memref<262144xi32, #tpu.memory_space<vmem>>, vector<8192xi32>
    %add3A_76 = arith.addi %add3A_70, %get3A_75 : vector<8192xi32>
    %get3A_77 = arith.constant 106496 : index
    %get3A_78 = vector.load %arg2[%get3A_77] : memref<262144xi32, #tpu.memory_space<vmem>>, vector<8192xi32>
    %add3A_79 = arith.addi %add3A_73, %get3A_78 : vector<8192xi32>
    %get3A_80 = arith.constant 114688 : index
    %get3A_81 = vector.load %arg1[%get3A_80] : memref<262144xi32, #tpu.memory_space<vmem>>, vector<8192xi32>
    %add3A_82 = arith.addi %add3A_76, %get3A_81 : vector<8192xi32>
    %get3A_83 = arith.constant 114688 : index
    %get3A_84 = vector.load %arg2[%get3A_83] : memref<262144xi32, #tpu.memory_space<vmem>>, vector<8192xi32>
    %add3A_85 = arith.addi %add3A_79, %get3A_84 : vector<8192xi32>
    %get3A_86 = arith.constant 122880 : index
    %get3A_87 = vector.load %arg1[%get3A_86] : memref<262144xi32, #tpu.memory_space<vmem>>, vector<8192xi32>
    %add3A_88 = arith.addi %add3A_82, %get3A_87 : vector<8192xi32>
    %get3A_89 = arith.constant 122880 : index
    %get3A_90 = vector.load %arg2[%get3A_89] : memref<262144xi32, #tpu.memory_space<vmem>>, vector<8192xi32>
    %add3A_91 = arith.addi %add3A_85, %get3A_90 : vector<8192xi32>
    %get3A_92 = arith.constant 131072 : index
    %get3A_93 = vector.load %arg1[%get3A_92] : memref<262144xi32, #tpu.memory_space<vmem>>, vector<8192xi32>
    %add3A_94 = arith.addi %add3A_88, %get3A_93 : vector<8192xi32>
    %get3A_95 = arith.constant 131072 : index
    %get3A_96 = vector.load %arg2[%get3A_95] : memref<262144xi32, #tpu.memory_space<vmem>>, vector<8192xi32>
    %add3A_97 = arith.addi %add3A_91, %get3A_96 : vector<8192xi32>
    %get3A_98 = arith.constant 139264 : index
    %get3A_99 = vector.load %arg1[%get3A_98] : memref<262144xi32, #tpu.memory_space<vmem>>, vector<8192xi32>
    %add3A_100 = arith.addi %add3A_94, %get3A_99 : vector<8192xi32>
    %get3A_101 = arith.constant 139264 : index
    %get3A_102 = vector.load %arg2[%get3A_101] : memref<262144xi32, #tpu.memory_space<vmem>>, vector<8192xi32>
    %add3A_103 = arith.addi %add3A_97, %get3A_102 : vector<8192xi32>
    %get3A_104 = arith.constant 147456 : index
    %get3A_105 = vector.load %arg1[%get3A_104] : memref<262144xi32, #tpu.memory_space<vmem>>, vector<8192xi32>
    %add3A_106 = arith.addi %add3A_100, %get3A_105 : vector<8192xi32>
    %get3A_107 = arith.constant 147456 : index
    %get3A_108 = vector.load %arg2[%get3A_107] : memref<262144xi32, #tpu.memory_space<vmem>>, vector<8192xi32>
    %add3A_109 = arith.addi %add3A_103, %get3A_108 : vector<8192xi32>
    %get3A_110 = arith.constant 155648 : index
    %get3A_111 = vector.load %arg1[%get3A_110] : memref<262144xi32, #tpu.memory_space<vmem>>, vector<8192xi32>
    %add3A_112 = arith.addi %add3A_106, %get3A_111 : vector<8192xi32>
    %get3A_113 = arith.constant 155648 : index
    %get3A_114 = vector.load %arg2[%get3A_113] : memref<262144xi32, #tpu.memory_space<vmem>>, vector<8192xi32>
    %add3A_115 = arith.addi %add3A_109, %get3A_114 : vector<8192xi32>
    %get3A_116 = arith.constant 163840 : index
    %get3A_117 = vector.load %arg1[%get3A_116] : memref<262144xi32, #tpu.memory_space<vmem>>, vector<8192xi32>
    %add3A_118 = arith.addi %add3A_112, %get3A_117 : vector<8192xi32>
    %get3A_119 = arith.constant 163840 : index
    %get3A_120 = vector.load %arg2[%get3A_119] : memref<262144xi32, #tpu.memory_space<vmem>>, vector<8192xi32>
    %add3A_121 = arith.addi %add3A_115, %get3A_120 : vector<8192xi32>
    %get3A_122 = arith.constant 172032 : index
    %get3A_123 = vector.load %arg1[%get3A_122] : memref<262144xi32, #tpu.memory_space<vmem>>, vector<8192xi32>
    %add3A_124 = arith.addi %add3A_118, %get3A_123 : vector<8192xi32>
    %get3A_125 = arith.constant 172032 : index
    %get3A_126 = vector.load %arg2[%get3A_125] : memref<262144xi32, #tpu.memory_space<vmem>>, vector<8192xi32>
    %add3A_127 = arith.addi %add3A_121, %get3A_126 : vector<8192xi32>
    %get3A_128 = arith.constant 180224 : index
    %get3A_129 = vector.load %arg1[%get3A_128] : memref<262144xi32, #tpu.memory_space<vmem>>, vector<8192xi32>
    %add3A_130 = arith.addi %add3A_124, %get3A_129 : vector<8192xi32>
    %get3A_131 = arith.constant 180224 : index
    %get3A_132 = vector.load %arg2[%get3A_131] : memref<262144xi32, #tpu.memory_space<vmem>>, vector<8192xi32>
    %add3A_133 = arith.addi %add3A_127, %get3A_132 : vector<8192xi32>
    %get3A_134 = arith.constant 188416 : index
    %get3A_135 = vector.load %arg1[%get3A_134] : memref<262144xi32, #tpu.memory_space<vmem>>, vector<8192xi32>
    %add3A_136 = arith.addi %add3A_130, %get3A_135 : vector<8192xi32>
    %get3A_137 = arith.constant 188416 : index
    %get3A_138 = vector.load %arg2[%get3A_137] : memref<262144xi32, #tpu.memory_space<vmem>>, vector<8192xi32>
    %add3A_139 = arith.addi %add3A_133, %get3A_138 : vector<8192xi32>
    %get3A_140 = arith.constant 196608 : index
    %get3A_141 = vector.load %arg1[%get3A_140] : memref<262144xi32, #tpu.memory_space<vmem>>, vector<8192xi32>
    %add3A_142 = arith.addi %add3A_136, %get3A_141 : vector<8192xi32>
    %get3A_143 = arith.constant 196608 : index
    %get3A_144 = vector.load %arg2[%get3A_143] : memref<262144xi32, #tpu.memory_space<vmem>>, vector<8192xi32>
    %add3A_145 = arith.addi %add3A_139, %get3A_144 : vector<8192xi32>
    %get3A_146 = arith.constant 204800 : index
    %get3A_147 = vector.load %arg1[%get3A_146] : memref<262144xi32, #tpu.memory_space<vmem>>, vector<8192xi32>
    %add3A_148 = arith.addi %add3A_142, %get3A_147 : vector<8192xi32>
    %get3A_149 = arith.constant 204800 : index
    %get3A_150 = vector.load %arg2[%get3A_149] : memref<262144xi32, #tpu.memory_space<vmem>>, vector<8192xi32>
    %add3A_151 = arith.addi %add3A_145, %get3A_150 : vector<8192xi32>
    %get3A_152 = arith.constant 212992 : index
    %get3A_153 = vector.load %arg1[%get3A_152] : memref<262144xi32, #tpu.memory_space<vmem>>, vector<8192xi32>
    %add3A_154 = arith.addi %add3A_148, %get3A_153 : vector<8192xi32>
    %get3A_155 = arith.constant 212992 : index
    %get3A_156 = vector.load %arg2[%get3A_155] : memref<262144xi32, #tpu.memory_space<vmem>>, vector<8192xi32>
    %add3A_157 = arith.addi %add3A_151, %get3A_156 : vector<8192xi32>
    %get3A_158 = arith.constant 221184 : index
    %get3A_159 = vector.load %arg1[%get3A_158] : memref<262144xi32, #tpu.memory_space<vmem>>, vector<8192xi32>
    %add3A_160 = arith.addi %add3A_154, %get3A_159 : vector<8192xi32>
    %get3A_161 = arith.constant 221184 : index
    %get3A_162 = vector.load %arg2[%get3A_161] : memref<262144xi32, #tpu.memory_space<vmem>>, vector<8192xi32>
    %add3A_163 = arith.addi %add3A_157, %get3A_162 : vector<8192xi32>
    %get3A_164 = arith.constant 229376 : index
    %get3A_165 = vector.load %arg1[%get3A_164] : memref<262144xi32, #tpu.memory_space<vmem>>, vector<8192xi32>
    %add3A_166 = arith.addi %add3A_160, %get3A_165 : vector<8192xi32>
    %get3A_167 = arith.constant 229376 : index
    %get3A_168 = vector.load %arg2[%get3A_167] : memref<262144xi32, #tpu.memory_space<vmem>>, vector<8192xi32>
    %add3A_169 = arith.addi %add3A_163, %get3A_168 : vector<8192xi32>
    %get3A_170 = arith.constant 237568 : index
    %get3A_171 = vector.load %arg1[%get3A_170] : memref<262144xi32, #tpu.memory_space<vmem>>, vector<8192xi32>
    %add3A_172 = arith.addi %add3A_166, %get3A_171 : vector<8192xi32>
    %get3A_173 = arith.constant 237568 : index
    %get3A_174 = vector.load %arg2[%get3A_173] : memref<262144xi32, #tpu.memory_space<vmem>>, vector<8192xi32>
    %add3A_175 = arith.addi %add3A_169, %get3A_174 : vector<8192xi32>
    %get3A_176 = arith.constant 245760 : index
    %get3A_177 = vector.load %arg1[%get3A_176] : memref<262144xi32, #tpu.memory_space<vmem>>, vector<8192xi32>
    %add3A_178 = arith.addi %add3A_172, %get3A_177 : vector<8192xi32>
    %get3A_179 = arith.constant 245760 : index
    %get3A_180 = vector.load %arg2[%get3A_179] : memref<262144xi32, #tpu.memory_space<vmem>>, vector<8192xi32>
    %add3A_181 = arith.addi %add3A_175, %get3A_180 : vector<8192xi32>
    %get3A_182 = arith.constant 253952 : index
    %get3A_183 = vector.load %arg1[%get3A_182] : memref<262144xi32, #tpu.memory_space<vmem>>, vector<8192xi32>
    %add3A_184 = arith.addi %add3A_178, %get3A_183 : vector<8192xi32>
    %get3A_185 = arith.constant 253952 : index
    %get3A_186 = vector.load %arg2[%get3A_185] : memref<262144xi32, #tpu.memory_space<vmem>>, vector<8192xi32>
    %add3A_187 = arith.addi %add3A_181, %get3A_186 : vector<8192xi32>
    %convert_element_type3A = arith.sitofp %add3A_184 : vector<8192xi32> to vector<8192xf32>
    %reshape3A = vector.shape_cast %convert_element_type3A : vector<8192xf32> to vector<1x8192xf32>
    %sub3A = arith.subi %add3A_187, %add3A_184 : vector<8192xi32>
    %convert_element_type3A_188 = arith.sitofp %sub3A : vector<8192xi32> to vector<8192xf32>
    %reshape3A_189 = vector.shape_cast %convert_element_type3A_188 : vector<8192xf32> to vector<1x8192xf32>
    %broadcast_in_dim3A = arith.constant 1.000000e+00 : f32
    %broadcast_in_dim3A_190 = vector.broadcast %broadcast_in_dim3A : f32 to vector<1x8192xf32>
    %concatenate3A = tpu.concatenate %reshape3A, %reshape3A_189, %broadcast_in_dim3A_190 in 0 : vector<1x8192xf32>, vector<1x8192xf32>, vector<1x8192xf32> -> vector<3x8192xf32>
    %get3A_191 = arith.constant 0 : index
    %get3A_192 = arith.constant 0 : index
    %get3A_193 = vector.load %arg3[%get3A_191, %get3A_192] : memref<256x3xbf16, #tpu.memory_space<vmem>>, vector<256x3xbf16>
    %convert_element_type3A_194 = arith.truncf %concatenate3A : vector<3x8192xf32> to vector<3x8192xbf16>
    %dot_general3A = arith.constant dense<0.000000e+00> : vector<256x8192xf32>
    %dot_general3A_195 = tpu.matmul %get3A_193, %convert_element_type3A_194, %dot_general3A {dimension_numbers = #tpu.dot_dimension_numbers<[1], [0], [0], [1], [0, 0, 1, 1], [], []>, transpose_lhs_hint = false} : vector<256x3xbf16>, vector<3x8192xbf16>, vector<256x8192xf32> -> vector<256x8192xf32>
    %max3A = arith.constant 0.000000e+00 : f32
    %max3A_196 = vector.broadcast %max3A : f32 to vector<256x8192xf32>
    %max3A_197 = arith.maximumf %dot_general3A_195, %max3A_196 : vector<256x8192xf32>
    %get3A_198 = arith.constant 0 : index
    %get3A_199 = arith.constant 0 : index
    %get3A_200 = vector.load %arg4[%get3A_198, %get3A_199] : memref<256x1xf32, #tpu.memory_space<vmem>>, vector<256x1xf32>
    %dot_general3A_201 = arith.constant dense<0.000000e+00> : vector<1x8192xf32>
    %dot_general3A_202 = tpu.matmul %get3A_200, %max3A_197, %dot_general3A_201 {dimension_numbers = #tpu.dot_dimension_numbers<[0], [0], [1], [1], [0, 1, 1, 1], [], []>, transpose_lhs_hint = false} : vector<256x1xf32>, vector<256x8192xf32>, vector<1x8192xf32> -> vector<1x8192xf32>
    %get3A_203 = arith.constant 0 : index
    %get3A_204 = arith.constant 0 : index
    %get3A_205 = vector.load %arg5[%get3A_203, %get3A_204] : memref<1x1xf32, #tpu.memory_space<vmem>>, vector<1x1xf32>
    %add3A_206 = vector.broadcast %get3A_205 : vector<1x1xf32> to vector<1x8192xf32>
    %add3A_207 = arith.addf %dot_general3A_202, %add3A_206 : vector<1x8192xf32>
    %swap3A = arith.constant 0 : index
    %swap3A_208 = arith.constant 0 : index
    %swap3A_209 = vector.load %arg6[%swap3A, %swap3A_208] : memref<1x8192xf32, #tpu.memory_space<vmem>>, vector<1x8192xf32>
    tpu.vector_store %arg6[%swap3A, %swap3A_208], %add3A_207 {strides = array<i32>} : memref<1x8192xf32, #tpu.memory_space<vmem>>, vector<1x8192xf32>,
    return
  }
  func.func @transform_0(%arg0: i32) -> i32 {
    %c0_i32 = arith.constant 0 : i32
    return %arg0 : i32
  }
  func.func @transform_1(%arg0: i32) -> i32 {
    %c0_i32 = arith.constant 0 : i32
    return %arg0 : i32
  }
  func.func @transform_2(%arg0: i32) -> (i32, i32) {
    %c0_i32 = arith.constant 0 : i32
    %c0_i32_0 = arith.constant 0 : i32
    %c0_i32_1 = arith.constant 0 : i32
    return %c0_i32, %c0_i32_0 : i32, i32
  }
  func.func @transform_3(%arg0: i32) -> (i32, i32) {
    %c0_i32 = arith.constant 0 : i32
    %c0_i32_0 = arith.constant 0 : i32
    %c0_i32_1 = arith.constant 0 : i32
    return %c0_i32, %c0_i32_0 : i32, i32
  }
  func.func @transform_4(%arg0: i32) -> (i32, i32) {
    %c0_i32 = arith.constant 0 : i32
    %c0_i32_0 = arith.constant 0 : i32
    %c0_i32_1 = arith.constant 0 : i32
    return %c0_i32, %c0_i32_0 : i32, i32
  }
  func.func @transform_5(%arg0: i32) -> (i32, i32) {
    %c0_i32 = arith.constant 0 : i32
    %c0_i32_0 = arith.constant 0 : i32
    return %c0_i32, %arg0 : i32, i32
  }
}

</mosaic_0001>

<sc_bundles>
// kernel: kernel.4.cloned.1.call-start
scs
__scs_entry_jumppad:
0x0: {  	(pc) =	sbr.rel $0x88, $3  }
0x1: {  	(tag) =	ssettag $0x0;
	lr =	simm.s32 $0x1  }
0x2: {  	[smem:$0x3F9B] =	sst lr;
	_ =	strace $0xD0000000  }
0x3: {  	_ = 	snop  }
0x4: {  	_ = 	snop  }
0x5: {  	_ = 	snop  }
0x6: {  	_ = 	snop  }
0x7: {  	_ = 	snop  }
__scs_overlays_trampoline_lowered:
0x8: {  	[smem:$0x3FAA] =	sst s0  }
0x9: {  	[smem:$0x3FAB] =	sst s1  }
0xa: {  	[smem:$0x3FAC] =	sst s2  }
0xb: {  	[smem:$0x3FAD] =	sst s3  }
0xc: {  	[smem:$0x3FAE] =	sst s4  }
0xd: {  	[smem:$0x3FAF] =	sst s5  }
0xe: {  	[smem:$0x3FB0] =	sst s6  }
0xf: {  	[smem:$0x3FB1] =	sst s7  }
0x10: {  	[smem:$0x3FB2] =	sst s8  }
0x11: {  	[smem:$0x3FB3] =	sst s9;
	s0 =	simm.s32 @!p0 $0x0  }
0x12: {  	s1 =	sld [smem:$0x3F99];
	s0 =	simm.s32 @p0 $0x1  }
0x13: {  	[smem:$0x3FB4] =	sst s0;
	s0 =	simm.s32 @!p1 $0x0  }
0x14: {  	s2 =	sld [smem:$0x3F98];
	s0 =	simm.s32 @p1 $0x1  }
0x15: {  	[smem:$0x3FB5] =	sst s0;
	s0 =	simm.s32 @!p2 $0x0  }
0x16: {  	s3 =	sld [smem:$0x3FDB];
	s0 =	simm.s32 @p2 $0x1  }
0x17: {  	s4 =	simm.s32 $0x1BF5;
	[smem:$0x3FB7] =	sst s0  }
0x18: {  	s0 =	sld [smem:$0x3F9A];
	_ =	swait.ge [sflag:s4], $0x0  }
0x19: {  	s7 =	sld [smem:$0x3F9B]  }
0x1a: {  	s8 =	sadd.s32 $0xFFFFE003, lr  }
0x1b: {  	s9 =	sadd.s32 $0xFFFFFEF7, lr;
	s5 =	simm.s32 $0xFFFFFFFF;
	p2 =	slt.u32 s8, $0xFFFFF086  }
0x1c: {  	p1 =	slt.u32 s9, $0xF7A;
	s5 =	simm.s32 @!p2 $0x0  }
0x1d: {  	s5 =	simm.s32 @p1 $0x1;
	p0 =	seq.s32 s7, s2  }
0x1e: {  	s7 =	smul.u32 @!p0 $0xF7A, s2;
	p2 =	seq.s32 @!p0 s5, $0x0  }
0x1f: {  	s9 =	smul.u32 $0xF7A, s1;
	s8 =	simm.s32 @!p0 $0x1BF5;
	p2 =	por !p2, p0  }
0x20: {  	[sflag:s8] =	ssyncset.s32 @!p0 $0xFFFFF086;
	s6 =	sadd.s32 @!p0 s3, s7;
	s7 =	simm.s32 @!p0 $0x108  }
0x21: {  	s3 =	sadd.s32 s3, s9;
	s6 =	sadd.s32 @!p0 $0x88, s6;
	s7 =	simm.s32 @p2 $0x1082  }
0x22: {  	[simem:s7], [sflag:s8] =	dma.local @!p0 [hbm:s6], $0xF7A  }
0x23: {  	s9 =	sor.u32 $0xD0000000, s2;
	s6 =	simm.s32 $0x108;
	_ =	swait.ge @!p0 [sflag:s8], $0x0  }
0x24: {  	s3 =	sadd.s32 $0x88, s3;
	s6 =	simm.s32 @!p1 $0x1082;
	[sflag:s4] =	ssyncset.s32 $0xFFFFF086  }
0x25: {  	[simem:s6], [sflag:s4] =	dma.local [hbm:s3], $0xF7A  }
0x26: {  	[smem:$0x3F9B] =	sst s1;
	(tag) =	ssettag s2;
	_ =	strace s9  }
0x27: {  	s1 =	sld [smem:$0x3FAB]  }
0x28: {  	s2 =	sld [smem:$0x3FAC]  }
0x29: {  	s4 =	sld [smem:$0x3FAE]  }
0x2a: {  	p0 =	seq.s32 s5, $0x0;
	s5 =	sld [smem:$0x3FAF]  }
0x2b: {  	s6 =	sld [smem:$0x3FB0]  }
0x2c: {  	s7 =	sld [smem:$0x3FB1]  }
0x2d: {  	s3 =	simm.s32 $0x108;
	s8 =	sld [smem:$0x3FB2]  }
0x2e: {  	s3 =	simm.s32 @!p0 $0x1082;
	s9 =	sld [smem:$0x3FB3]  }
0x2f: {  	lr =	sadd.s32 s0, s3;
	s0 =	sld [smem:$0x3FAA]  }
0x30: {  	s3 =	sld [smem:$0x3FAD]  }
0x31: {  	[smem:$0x3FB6] =	sst s10  }
0x32: {  	s10 =	sld [smem:$0x3FB4];
	_ =	sdelay $0x3  }
0x33: {  	p0 =	seq.s32 s10, $0x1;
	s10 =	sld [smem:$0x3FB6];
	_ =	sdelay $0x3  }
0x34: {  	[smem:$0x3FB6] =	sst s10  }
0x35: {  	s10 =	sld [smem:$0x3FB5];
	_ =	sdelay $0x3  }
0x36: {  	p1 =	seq.s32 s10, $0x1;
	s10 =	sld [smem:$0x3FB6];
	_ =	sdelay $0x3  }
0x37: {  	[smem:$0x3FB6] =	sst s10  }
0x38: {  	s10 =	sld [smem:$0x3FB7]  }
0x39: {  	_ = 	snop;
	(pc) =	sbr.ind lr, $3  }
0x3a: {  	_ = 	snop  }
0x3b: {  	_ = 	snop  }
0x3c: {  	p2 =	seq.s32 s10, $0x1;
	s10 =	sld [smem:$0x3FB6]  }
0x3d: {  	_ =	shalt  }
0x3e: {  	_ =	shalt  }
0x3f: {  	_ =	shalt  }
0x40: {  	_ =	shalt  }
0x41: {  	_ =	shalt  }
0x42: {  	_ =	shalt  }
0x43: {  	_ =	shalt  }
0x44: {  	_ =	shalt  }
0x45: {  	_ =	shalt  }
0x46: {  	_ =	shalt  }
0x47: {  	_ =	shalt  }
0x48: {  	_ =	shalt  }
0x49: {  	_ =	shalt  }
0x4a: {  	_ =	shalt  }
0x4b: {  	_ =	shalt  }
0x4c: {  	_ =	shalt  }
0x4d: {  	_ =	shalt  }
0x4e: {  	_ =	shalt  }
0x4f: {  	_ =	shalt  }
0x50: {  	_ =	shalt  }
0x51: {  	_ =	shalt  }
0x52: {  	_ =	shalt  }
0x53: {  	_ =	shalt  }
0x54: {  	_ =	shalt  }
0x55: {  	_ =	shalt  }
0x56: {  	_ =	shalt  }
0x57: {  	_ =	shalt  }
0x58: {  	_ =	shalt  }
0x59: {  	_ =	shalt  }
0x5a: {  	_ =	shalt  }
0x5b: {  	_ =	shalt  }
0x5c: {  	_ =	shalt  }
0x5d: {  	_ =	shalt  }
0x5e: {  	_ =	shalt  }
0x5f: {  	_ =	shalt  }
0x60: {  	_ =	shalt  }
0x61: {  	_ =	shalt  }
0x62: {  	_ =	shalt  }
0x63: {  	_ =	shalt  }
0x64: {  	_ =	shalt  }
0x65: {  	_ =	shalt  }
0x66: {  	_ =	shalt  }
0x67: {  	_ =	shalt  }
0x68: {  	_ =	shalt  }
0x69: {  	_ =	shalt  }
0x6a: {  	_ =	shalt  }
0x6b: {  	_ =	shalt  }
0x6c: {  	_ =	shalt  }
0x6d: {  	_ =	shalt  }
0x6e: {  	_ =	shalt  }
0x6f: {  	_ =	shalt  }
0x70: {  	_ =	shalt  }
0x71: {  	_ =	shalt  }
0x72: {  	_ =	shalt  }
0x73: {  	_ =	shalt  }
0x74: {  	_ =	shalt  }
0x75: {  	_ =	shalt  }
0x76: {  	_ =	shalt  }
0x77: {  	_ =	shalt  }
0x78: {  	_ =	shalt  }
0x79: {  	_ =	shalt  }
0x7a: {  	_ =	shalt  }
0x7b: {  	_ =	shalt  }
0x7c: {  	_ =	shalt  }
0x7d: {  	_ =	shalt  }
0x7e: {  	_ =	shalt  }
0x7f: {  	_ =	shalt  }
0x80: {  	_ =	shalt  }
0x81: {  	_ =	shalt  }
0x82: {  	_ =	shalt  }
0x83: {  	_ =	shalt  }
0x84: {  	_ =	shalt  }
0x85: {  	_ =	shalt  }
0x86: {  	_ =	shalt  }
0x87: {  	_ =	shalt  }
.Lfunc_end0:
.L_simem_size_0:
called_computation_lowered:
.L_overlay_start_0:
0x88: {  	s2 =	sld [smem:$0x3FD9]  }
0x89: {  	s3 =	sld [smem:$0x3FFE];
	_ =	sdelay $0x1  }
0x8a: {  	s1 =	srdreg.scid  }
0x8b: {  	s0 =	sand.u32 $0x1, s1  }
0x8c: {  	s17 =	sshll.u32 s0, $0xA;
	s2 =	sadd.s32 s3, s2  }
0x8d: {  	s2 =	sadd.s32 s2, s17  }
0x8e: {  	[smem:$0x3FC2] =	sst s2  }
0x8f: {  	_ = 	snop  }
0x90: {  	s2 =	sld [smem:$0x3FC9]  }
0x91: {  	s18 =	sld [smem:$0x3FC8];
	(tm) =	ssettm $0x1  }
0x92: {  	s4 =	sld [smem:$0x3FFB];
	_ =	sdelay $0x3  }
0x93: {  	_ =	strace s4  }
0x94: {  	s4 =	sld [smem:$0x3FFC];
	_ =	sdelay $0x3  }
0x95: {  	_ =	strace s4  }
0x96: {  	s4 =	sld [smem:$0x3FFD];
	_ =	sdelay $0x3  }
0x97: {  	_ =	strace s4  }
0x98: {  	_ =	strace $0x8FFFFFFF  }
0x99: {  	s19 =	sld [smem:$0x3FDB];
	_ =	sdelay $0x1  }
0x9a: {  	s5 =	simm.s32 $_scs_section_size  }
0x9b: {  	s6 =	simm.s32 $_size__tile_overlayer_lowered;
	s7 =	simm.s32 $_tile_overlayer_lowered  }
0x9c: {  	s22 =	simm.s32 $0x1BFF;
	s21 =	sshll.u32 s7, $0x1;
	s4 =	sadd.s32 s5, s19  }
0x9d: {  	s8 =	simm.s32 $0x0;
	s20 =	sshll.u32 s6, $0x1;
	s6 =	sadd.s32 s21, s4  }
0x9e: {  	[timem:s8], [sflag:s22] =	dma.local [hbm:s6], s20  }
0x9f: {  	_ =	swait.ge [sflag:s22], s20  }
0xa0: {  	s5 =	ssub.s32 $0x0, s20;
	[sflag:s22] =	ssyncset.done $0x0  }
0xa1: {  	[sflag:s22] =	ssyncadd.s32 s5;
	_ =	sdelay $0x1  }
0xa2: {  	s23 =	simm.s32 $0x1B8B  }
0xa3: {  	_ =	swait.ge [sflag:s23], $0x1  }
0xa4: {  	[sflag:s23] =	ssyncset.done $0x0  }
0xa5: {  	s25 =	simm.s32 $0x1B8E;
	s24 =	sld [smem:$0x3FFE];
	[sflag:s23] =	ssyncadd.s32 $0xFFFFFFFF  }
0xa6: {  	s26 =	simm.s32 $execute0_lowered;
	[smem:$0x3FD2] =	sst s25  }
0xa7: {  	s6 =	sshll.u32 s26, $0x1;
	_ =	strace $0x80000046;
	[dreg:$0x1] =	wrdreg $0xFFFFFFFF  }
0xa8: {  	s28 =	simm.s32 $_size_execute0_lowered;
	s4 =	sadd.s32 s4, s6;
	[dreg:$0x0] =	wrdreg $0x0  }
0xa9: {  	s6 =	sshll.u32 s28, $0x1;
	[dreg:$0x2] =	wrdreg s4  }
0xaa: {  	[dreg:$0x3] =	wrdreg s6  }
0xab: {  	[dreg:$0x4] =	wrdreg $0xC0  }
0xac: {  	_ =	task [dreg:s8], $0x5FFFF  }
0xad: {  	[dreg:$0x1] =	wrdreg $0xFFFFFFFF  }
0xae: {  	[dreg:$0x0] =	wrdreg $0x60  }
0xaf: {  	[dreg:$0x2] =	wrdreg s2  }
0xb0: {  	[dreg:$0x3] =	wrdreg s18  }
0xb1: {  	[dreg:$0x4] =	wrdreg s24  }
0xb2: {  	[dreg:$0x5] =	wrdreg $0x9  }
0xb3: {  	_ =	task.clear_ibuf [dreg:s8], $0x6FFFF;
	_ =	strace $0x90000046  }
0xb4: {  	s29 =	simm.s32 $0x9;
	_ =	strace $0x80000048  }
0xb5: {  	_ =	swait.ge [sflag:s29], $0x1  }
0xb6: {  	[sflag:s29] =	ssyncadd.s32 $0xFFFFFFFF  }
0xb7: {  	_ =	strace $0x90000048  }
0xb8: {  	_ =	sfence  }
0xb9: {  	s30 =	sld [smem:$0x0];
	_ =	sdelay $0x2  }
0xba: {  	s31 =	sshll.u32 s1, $0xD;
	s1 =	sshrl.u32 s1, $0x2  }
0xbb: {  	s3 =	sand.u32 $0x4000, s31;
	s1 =	sadd.s32 s1, s30  }
0xbc: {  	s0 =	sor.u32 s3, s0;
	s1 =	sshll.u32 s1, $0x11  }
0xbd: {  	s0 =	sor.u32 s1, s0  }
0xbe: {  	s0 =	sadd.s32 $0x8F2B, s0  }
0xbf: {  	[sflag:s0] =	ssyncadd.remote.s32 $0x1  }
0xc0: {  	_ =	sfence.sel $0xFFFF  }
0xc1: {  	[dreg:$0x0] =	wrdreg $0xFFFFFFFF;
	(pc) =	sbr.abs _section_cstart, $3  }
0xc2: {  	[dreg:$0x1] =	wrdreg $0xFFFFFFFF  }
0xc3: {  	_ =	task.clear_ibuf [dreg:s8], $0x2FFFF;
	_ =	strace $0x9FFFFFFF  }
0xc4: {  	(tm) =	ssettm $0x7FFFFFFF  }
0xc5: {  	_ =	shalt  }
tec
execute0_lowered:
.L_overlay_start_1:
0x0: {  	(tag) =	ssettag $0x1  }
0x1: {  	s0 =	rddreg [dreg:$0x0]  }
0x2: {  	s2 =	rddreg [dreg:$0x1];
	s4 =	srdreg.scid  }
0x3: {  	s3 =	rddreg [dreg:$0x2];
	s1 =	simm.s32 $0x0;
	s4 =	sand.u32 $0x1, s4  }
0x4: {  	s8 =	stileid.u32;
	[smem:$0x7FF] =	sst s1;
	s5 =	ssub.s32 $0x2, s4  }
0x5: {  	s6 =	sadd.s32 $0x1200, s3;
	s4 =	sshll.u32 s4, $0x4;
	s7 =	sshrl.u32 s5, $0x1  }
0x6: {  	s3 =	sadd.s32 $0x41200, s3;
	s4 =	sor.u32 s8, s4;
	s5 =	ssub.s32 s5, s7  }
0x7: {  	s15 =	sshll.u32 s4, $0xE;
	s4 =	sshll.u32 s4, $0xA;
	s7 =	simm.s32 $0x8000  }
0x8: {  	s16 =	sadd.s32 s0, s15;
	s17 =	sor.u32 $0x800, s15;
	s9 =	sor.u32 $0x1000, s15  }
0x9: {  	s19 =	sor.u32 $0x1800, s15;
	s24 =	sadd.s32 s2, s15;
	[dreg:$0x4] =	wrdreg s16  }
0xa: {  	s20 =	sor.u32 $0x2000, s15;
	s25 =	sadd.s32 s6, s4;
	[dreg:$0xc] =	wrdreg s24  }
0xb: {  	s12 =	sor.u32 $0x2800, s15;
	s10 =	sadd.s32 s0, s17;
	[dreg:$0xd] =	wrdreg s25  }
0xc: {  	s22 =	sor.u32 $0x3000, s15;
	s18 =	sadd.s32 s0, s9;
	[dreg:$0x5] =	wrdreg s10  }
0xd: {  	s23 =	sor.u32 $0x3800, s15;
	s11 =	sadd.s32 s0, s19;
	[dreg:$0x6] =	wrdreg s18  }
0xe: {  	s15 =	sor.u32 $0x18000, s4;
	s13 =	sadd.s32 s0, s20;
	[dreg:$0x7] =	wrdreg s11  }
0xf: {  	s21 =	sadd.s32 s0, s12;
	s14 =	sadd.s32 s0, s22;
	[dreg:$0x8] =	wrdreg s13  }
0x10: {  	s0 =	sadd.s32 s0, s23;
	s8 =	sadd.s32 s2, s17;
	[dreg:$0x9] =	wrdreg s21  }
0x11: {  	s9 =	sadd.s32 s2, s9;
	s12 =	sadd.s32 s2, s12;
	[dreg:$0xa] =	wrdreg s14  }
0x12: {  	s16 =	sor.u32 $0x20000, s4;
	s17 =	sor.u32 $0x28000, s4;
	[dreg:$0xb] =	wrdreg s0  }
0x13: {  	s31 =	sadd.s32 s3, s15;
	s0 =	sor.u32 $0x8000, s4;
	[dreg:$0xf] =	wrdreg s8  }
0x14: {  	[dreg:$0x10] =	wrdreg s9;
	s10 =	sadd.s32 s2, s19;
	s11 =	sadd.s32 s2, s20  }
0x15: {  	[dreg:$0x13] =	wrdreg s12;
	s13 =	sadd.s32 s2, s22;
	s2 =	sadd.s32 s2, s23  }
0x16: {  	s14 =	sor.u32 $0x10000, s4;
	s21 =	sadd.s32 s6, s15;
	s22 =	sadd.s32 s6, s16  }
0x17: {  	s18 =	sor.u32 $0x30000, s4;
	s19 =	sor.u32 $0x38000, s4;
	s23 =	sadd.s32 s6, s17  }
0x18: {  	s29 =	sadd.s32 s3, s16;
	s8 =	simm.s32 $0x2;
	[dreg:$0x11] =	wrdreg s10  }
0x19: {  	s9 =	simm.s32 $0xA000;
	s12 =	simm.s32 $0x10000;
	[dreg:$0x12] =	wrdreg s11  }
0x1a: {  	s15 =	simm.s32 $0x16000;
	s16 =	simm.s32 $0x3;
	[dreg:$0x14] =	wrdreg s13  }
0x1b: {  	s26 =	sadd.s32 s6, s0;
	[dreg:$0x15] =	wrdreg s2;
	s20 =	sadd.s32 s6, s14  }
0x1c: {  	s24 =	sadd.s32 s6, s18;
	s25 =	sadd.s32 s6, s19;
	s28 =	sadd.s32 s3, s0  }
0x1d: {  	s30 =	sadd.s32 s3, s14;
	s0 =	sadd.s32 s3, s17;
	s2 =	sadd.s32 s3, s18  }
0x1e: {  	s6 =	simm.s32 $0x1;
	s10 =	simm.s32 $0xC000;
	s11 =	simm.s32 $0xE000  }
0x1f: {  	s13 =	simm.s32 $0x12000;
	s14 =	simm.s32 $0x14000;
	s17 =	simm.s32 $0x0  }
0x20: {  	[dreg:$0xe] =	wrdreg s26;
	s26 =	sadd.s32 s3, s4;
	s3 =	sadd.s32 s3, s19  }
0x21: {  	v0 =	vimm.s32 $0x0;
	v1 =	vimm.s32 $0x1;
	s4 =	smax.u32 s5, $0x1;
	s5 =	simm.s32 $0x4000;
	_ =	strace $0x80000047  }
.LBB2_1:
0x22: {  	s18 =	rddreg [dreg:$0x4]  }
0x23: {  	[tilespmem:s1], [sflag:$0x1] =	stream.linear.gather [hbm4b:s18+s1], $0x4000, $0x38;
	[tilespmem:$0x18000] =	vst v63  }
0x24: {  	s18 =	simm.s32 $0x8040  }
0x25: {  	[tilespmem:s18+$0xFFFFFFC0] =	vst v0  }
0x26: {  	[tilespmem:s18+$0x30] =	vst v0  }
0x27: {  	[tilespmem:s18+$0x20] =	vst v0  }
0x28: {  	[tilespmem:s18+$0x10] =	vst v0  }
0x29: {  	[tilespmem:s18+$0x0] =	vst v0  }
0x2a: {  	[tilespmem:s18+$0xFFFFFFF0] =	vst v0  }
0x2b: {  	s19 =	simm.s32 $0x0;
	[tilespmem:s18+$0xFFFFFFE0] =	vst v0  }
.LBB2_2:
0x2c: {  	s19 =	sadd.s32 $0x8, s19;
	[tilespmem:s18+$0xFFFFFFD0] =	vst v0;
	s18 =	sadd.s32 $0x80, s18  }
0x2d: {  	[tilespmem:s18+$0xFFFFFFC0] =	vst v0;
	p0 =	slt.u32 s19, $0xFF8  }
0x2e: {  	[tilespmem:s18+$0x30] =	vst v0  }
.Ltmp0:
0x2f: {  	[tilespmem:s18+$0x20] =	vst v0;
	(pc) =	sbr.rel @p0 .LBB2_2-.Ltmp0, $4  }
0x30: {  	[tilespmem:s18+$0x10] =	vst v0  }
0x31: {  	[tilespmem:s18+$0x0] =	vst v0  }
0x32: {  	[tilespmem:s18+$0xFFFFFFF0] =	vst v0  }
0x33: {  	[tilespmem:s18+$0xFFFFFFE0] =	vst v0  }
0x34: {  	[tilespmem:s18+$0xFFFFFFD0] =	vst v0  }
0x35: {  	s18 =	rddreg [dreg:$0x5]  }
0x36: {  	[tilespmem:s5], [sflag:$0x2] =	stream.linear.gather [hbm4b:s18+s1], $0x4000, $0x38;
	[tilespmem:$0x18000] =	vst v63  }
0x37: {  	_ =	swait.ge [sflag:s6], $0x4000  }
0x38: {  	[sflag:s6] =	ssyncset.done $0x0  }
0x39: {  	s18 =	simm.s32 $0x40;
	[sflag:s6] =	ssyncadd.s32 $0xFFFFC000  }
0x3a: {  	v3 =	vld [tilespmem:s18+$0xFFFFFFC0]  }
0x3b: {  	v4 =	vld [tilespmem:s18+$0x30]  }
0x3c: {  	v5 =	vld [tilespmem:s18+$0x20]  }
0x3d: {  	v6 =	vld [tilespmem:s18+$0x10]  }
0x3e: {  	v7 =	vld [tilespmem:s18+$0x0]  }
0x3f: {  	v8 =	vld [tilespmem:s18+$0xFFFFFFF0]  }
0x40: {  	v9 =	vld [tilespmem:s18+$0xFFFFFFE0]  }
0x41: {  	v2 =	vld [tilespmem:s18+$0xFFFFFFD0]  }
0x42: {  	[tilespmem:v3+s7+$0x0] =	vst.idx.add.s32.msk $0xffff, v1  }
0x43: {  	[tilespmem:v4+s7+$0x0] =	vst.idx.add.s32.msk $0xffff, v1  }
0x44: {  	[tilespmem:v5+s7+$0x0] =	vst.idx.add.s32.msk $0xffff, v1  }
0x45: {  	[tilespmem:v6+s7+$0x0] =	vst.idx.add.s32.msk $0xffff, v1  }
0x46: {  	[tilespmem:v7+s7+$0x0] =	vst.idx.add.s32.msk $0xffff, v1  }
0x47: {  	[tilespmem:v8+s7+$0x0] =	vst.idx.add.s32.msk $0xffff, v1  }
0x48: {  	s19 =	simm.s32 $0x0;
	[tilespmem:v9+s7+$0x0] =	vst.idx.add.s32.msk $0xffff, v1  }
.LBB2_4:
0x49: {  	s19 =	sadd.s32 $0x8, s19;
	[tilespmem:v2+s7+$0x0] =	vst.idx.add.s32.msk $0xffff, v1;
	s18 =	sadd.s32 $0x80, s18  }
0x4a: {  	v3 =	vld [tilespmem:s18+$0xFFFFFFC0];
	p0 =	slt.u32 s19, $0x3F8  }
0x4b: {  	v4 =	vld [tilespmem:s18+$0x30]  }
0x4c: {  	v5 =	vld [tilespmem:s18+$0x20]  }
0x4d: {  	v6 =	vld [tilespmem:s18+$0x10]  }
0x4e: {  	v7 =	vld [tilespmem:s18+$0x0]  }
0x4f: {  	v8 =	vld [tilespmem:s18+$0xFFFFFFF0]  }
0x50: {  	v9 =	vld [tilespmem:s18+$0xFFFFFFE0]  }
0x51: {  	v2 =	vld [tilespmem:s18+$0xFFFFFFD0]  }
0x52: {  	[tilespmem:v3+s7+$0x0] =	vst.idx.add.s32.msk $0xffff, v1  }
0x53: {  	[tilespmem:v4+s7+$0x0] =	vst.idx.add.s32.msk $0xffff, v1  }
.Ltmp1:
0x54: {  	[tilespmem:v5+s7+$0x0] =	vst.idx.add.s32.msk $0xffff, v1;
	(pc) =	sbr.rel @p0 .LBB2_4-.Ltmp1, $4  }
0x55: {  	[tilespmem:v6+s7+$0x0] =	vst.idx.add.s32.msk $0xffff, v1  }
0x56: {  	[tilespmem:v7+s7+$0x0] =	vst.idx.add.s32.msk $0xffff, v1  }
0x57: {  	[tilespmem:v8+s7+$0x0] =	vst.idx.add.s32.msk $0xffff, v1  }
0x58: {  	[tilespmem:v9+s7+$0x0] =	vst.idx.add.s32.msk $0xffff, v1  }
0x59: {  	_ =	sdelay $0x3  }
0x5a: {  	[tilespmem:v2+s7+$0x0] =	vst.idx.add.s32.msk $0xffff, v1  }
0x5b: {  	s18 =	rddreg [dreg:$0x6]  }
0x5c: {  	[tilespmem:s1], [sflag:$0x1] =	stream.linear.gather [hbm4b:s18+s1], $0x4000, $0x38;
	[tilespmem:$0x18000] =	vst v63  }
0x5d: {  	_ =	swait.ge [sflag:s8], $0x4000  }
0x5e: {  	[sflag:s8] =	ssyncset.done $0x0  }
0x5f: {  	s18 =	simm.s32 $0x4040;
	[sflag:s8] =	ssyncadd.s32 $0xFFFFC000  }
0x60: {  	v3 =	vld [tilespmem:s18+$0xFFFFFFC0]  }
0x61: {  	v4 =	vld [tilespmem:s18+$0x30]  }
0x62: {  	v5 =	vld [tilespmem:s18+$0x20]  }
0x63: {  	v6 =	vld [tilespmem:s18+$0x10]  }
0x64: {  	v7 =	vld [tilespmem:s18+$0x0]  }
0x65: {  	v8 =	vld [tilespmem:s18+$0xFFFFFFF0]  }
0x66: {  	v9 =	vld [tilespmem:s18+$0xFFFFFFE0]  }
0x67: {  	v2 =	vld [tilespmem:s18+$0xFFFFFFD0]  }
0x68: {  	[tilespmem:v3+s7+$0x0] =	vst.idx.add.s32.msk $0xffff, v1  }
0x69: {  	[tilespmem:v4+s7+$0x0] =	vst.idx.add.s32.msk $0xffff, v1  }
0x6a: {  	[tilespmem:v5+s7+$0x0] =	vst.idx.add.s32.msk $0xffff, v1  }
0x6b: {  	[tilespmem:v6+s7+$0x0] =	vst.idx.add.s32.msk $0xffff, v1  }
0x6c: {  	[tilespmem:v7+s7+$0x0] =	vst.idx.add.s32.msk $0xffff, v1  }
0x6d: {  	[tilespmem:v8+s7+$0x0] =	vst.idx.add.s32.msk $0xffff, v1  }
0x6e: {  	s19 =	simm.s32 $0x0;
	[tilespmem:v9+s7+$0x0] =	vst.idx.add.s32.msk $0xffff, v1  }
.LBB2_6:
0x6f: {  	s19 =	sadd.s32 $0x8, s19;
	[tilespmem:v2+s7+$0x0] =	vst.idx.add.s32.msk $0xffff, v1;
	s18 =	sadd.s32 $0x80, s18  }
0x70: {  	v3 =	vld [tilespmem:s18+$0xFFFFFFC0];
	p0 =	slt.u32 s19, $0x3F8  }
0x71: {  	v4 =	vld [tilespmem:s18+$0x30]  }
0x72: {  	v5 =	vld [tilespmem:s18+$0x20]  }
0x73: {  	v6 =	vld [tilespmem:s18+$0x10]  }
0x74: {  	v7 =	vld [tilespmem:s18+$0x0]  }
0x75: {  	v8 =	vld [tilespmem:s18+$0xFFFFFFF0]  }
0x76: {  	v9 =	vld [tilespmem:s18+$0xFFFFFFE0]  }
0x77: {  	v2 =	vld [tilespmem:s18+$0xFFFFFFD0]  }
0x78: {  	[tilespmem:v3+s7+$0x0] =	vst.idx.add.s32.msk $0xffff, v1  }
0x79: {  	[tilespmem:v4+s7+$0x0] =	vst.idx.add.s32.msk $0xffff, v1  }
.Ltmp2:
0x7a: {  	[tilespmem:v5+s7+$0x0] =	vst.idx.add.s32.msk $0xffff, v1;
	(pc) =	sbr.rel @p0 .LBB2_6-.Ltmp2, $4  }
0x7b: {  	[tilespmem:v6+s7+$0x0] =	vst.idx.add.s32.msk $0xffff, v1  }
0x7c: {  	[tilespmem:v7+s7+$0x0] =	vst.idx.add.s32.msk $0xffff, v1  }
0x7d: {  	[tilespmem:v8+s7+$0x0] =	vst.idx.add.s32.msk $0xffff, v1  }
0x7e: {  	[tilespmem:v9+s7+$0x0] =	vst.idx.add.s32.msk $0xffff, v1  }
0x7f: {  	_ =	sdelay $0x3  }
0x80: {  	[tilespmem:v2+s7+$0x0] =	vst.idx.add.s32.msk $0xffff, v1  }
0x81: {  	s18 =	rddreg [dreg:$0x7]  }
0x82: {  	[tilespmem:s5], [sflag:$0x2] =	stream.linear.gather [hbm4b:s18+s1], $0x4000, $0x38;
	[tilespmem:$0x18000] =	vst v63  }
0x83: {  	_ =	swait.ge [sflag:s6], $0x4000  }
0x84: {  	[sflag:s6] =	ssyncset.done $0x0  }
0x85: {  	s18 =	simm.s32 $0x40;
	[sflag:s6] =	ssyncadd.s32 $0xFFFFC000  }
0x86: {  	v3 =	vld [tilespmem:s18+$0xFFFFFFC0]  }
0x87: {  	v4 =	vld [tilespmem:s18+$0x30]  }
0x88: {  	v5 =	vld [tilespmem:s18+$0x20]  }
0x89: {  	v6 =	vld [tilespmem:s18+$0x10]  }
0x8a: {  	v7 =	vld [tilespmem:s18+$0x0]  }
0x8b: {  	v8 =	vld [tilespmem:s18+$0xFFFFFFF0]  }
0x8c: {  	v9 =	vld [tilespmem:s18+$0xFFFFFFE0]  }
0x8d: {  	v2 =	vld [tilespmem:s18+$0xFFFFFFD0]  }
0x8e: {  	[tilespmem:v3+s7+$0x0] =	vst.idx.add.s32.msk $0xffff, v1  }
0x8f: {  	[tilespmem:v4+s7+$0x0] =	vst.idx.add.s32.msk $0xffff, v1  }
0x90: {  	[tilespmem:v5+s7+$0x0] =	vst.idx.add.s32.msk $0xffff, v1  }
0x91: {  	[tilespmem:v6+s7+$0x0] =	vst.idx.add.s32.msk $0xffff, v1  }
0x92: {  	[tilespmem:v7+s7+$0x0] =	vst.idx.add.s32.msk $0xffff, v1  }
0x93: {  	[tilespmem:v8+s7+$0x0] =	vst.idx.add.s32.msk $0xffff, v1  }
0x94: {  	s19 =	simm.s32 $0x0;
	[tilespmem:v9+s7+$0x0] =	vst.idx.add.s32.msk $0xffff, v1  }
.LBB2_8:
0x95: {  	s19 =	sadd.s32 $0x8, s19;
	[tilespmem:v2+s7+$0x0] =	vst.idx.add.s32.msk $0xffff, v1;
	s18 =	sadd.s32 $0x80, s18  }
0x96: {  	v3 =	vld [tilespmem:s18+$0xFFFFFFC0];
	p0 =	slt.u32 s19, $0x3F8  }
0x97: {  	v4 =	vld [tilespmem:s18+$0x30]  }
0x98: {  	v5 =	vld [tilespmem:s18+$0x20]  }
0x99: {  	v6 =	vld [tilespmem:s18+$0x10]  }
0x9a: {  	v7 =	vld [tilespmem:s18+$0x0]  }
0x9b: {  	v8 =	vld [tilespmem:s18+$0xFFFFFFF0]  }
0x9c: {  	v9 =	vld [tilespmem:s18+$0xFFFFFFE0]  }
0x9d: {  	v2 =	vld [tilespmem:s18+$0xFFFFFFD0]  }
0x9e: {  	[tilespmem:v3+s7+$0x0] =	vst.idx.add.s32.msk $0xffff, v1  }
0x9f: {  	[tilespmem:v4+s7+$0x0] =	vst.idx.add.s32.msk $0xffff, v1  }
.Ltmp3:
0xa0: {  	[tilespmem:v5+s7+$0x0] =	vst.idx.add.s32.msk $0xffff, v1;
	(pc) =	sbr.rel @p0 .LBB2_8-.Ltmp3, $4  }
0xa1: {  	[tilespmem:v6+s7+$0x0] =	vst.idx.add.s32.msk $0xffff, v1  }
0xa2: {  	[tilespmem:v7+s7+$0x0] =	vst.idx.add.s32.msk $0xffff, v1  }
0xa3: {  	[tilespmem:v8+s7+$0x0] =	vst.idx.add.s32.msk $0xffff, v1  }
0xa4: {  	[tilespmem:v9+s7+$0x0] =	vst.idx.add.s32.msk $0xffff, v1  }
0xa5: {  	_ =	sdelay $0x3  }
0xa6: {  	[tilespmem:v2+s7+$0x0] =	vst.idx.add.s32.msk $0xffff, v1  }
0xa7: {  	s18 =	rddreg [dreg:$0x8]  }
0xa8: {  	[tilespmem:s1], [sflag:$0x1] =	stream.linear.gather [hbm4b:s18+s1], $0x4000, $0x38;
	[tilespmem:$0x18000] =	vst v63  }
0xa9: {  	_ =	swait.ge [sflag:s8], $0x4000  }
0xaa: {  	[sflag:s8] =	ssyncset.done $0x0  }
0xab: {  	s18 =	simm.s32 $0x4040;
	[sflag:s8] =	ssyncadd.s32 $0xFFFFC000  }
0xac: {  	v3 =	vld [tilespmem:s18+$0xFFFFFFC0]  }
0xad: {  	v4 =	vld [tilespmem:s18+$0x30]  }
0xae: {  	v5 =	vld [tilespmem:s18+$0x20]  }
0xaf: {  	v6 =	vld [tilespmem:s18+$0x10]  }
0xb0: {  	v7 =	vld [tilespmem:s18+$0x0]  }
0xb1: {  	v8 =	vld [tilespmem:s18+$0xFFFFFFF0]  }
0xb2: {  	v9 =	vld [tilespmem:s18+$0xFFFFFFE0]  }
0xb3: {  	v2 =	vld [tilespmem:s18+$0xFFFFFFD0]  }
0xb4: {  	[tilespmem:v3+s7+$0x0] =	vst.idx.add.s32.msk $0xffff, v1  }
0xb5: {  	[tilespmem:v4+s7+$0x0] =	vst.idx.add.s32.msk $0xffff, v1  }
0xb6: {  	[tilespmem:v5+s7+$0x0] =	vst.idx.add.s32.msk $0xffff, v1  }
0xb7: {  	[tilespmem:v6+s7+$0x0] =	vst.idx.add.s32.msk $0xffff, v1  }
0xb8: {  	[tilespmem:v7+s7+$0x0] =	vst.idx.add.s32.msk $0xffff, v1  }
0xb9: {  	[tilespmem:v8+s7+$0x0] =	vst.idx.add.s32.msk $0xffff, v1  }
0xba: {  	s19 =	simm.s32 $0x0;
	[tilespmem:v9+s7+$0x0] =	vst.idx.add.s32.msk $0xffff, v1  }
.LBB2_10:
0xbb: {  	s19 =	sadd.s32 $0x8, s19;
	[tilespmem:v2+s7+$0x0] =	vst.idx.add.s32.msk $0xffff, v1;
	s18 =	sadd.s32 $0x80, s18  }
0xbc: {  	v3 =	vld [tilespmem:s18+$0xFFFFFFC0];
	p0 =	slt.u32 s19, $0x3F8  }
0xbd: {  	v4 =	vld [tilespmem:s18+$0x30]  }
0xbe: {  	v5 =	vld [tilespmem:s18+$0x20]  }
0xbf: {  	v6 =	vld [tilespmem:s18+$0x10]  }
0xc0: {  	v7 =	vld [tilespmem:s18+$0x0]  }
0xc1: {  	v8 =	vld [tilespmem:s18+$0xFFFFFFF0]  }
0xc2: {  	v9 =	vld [tilespmem:s18+$0xFFFFFFE0]  }
0xc3: {  	v2 =	vld [tilespmem:s18+$0xFFFFFFD0]  }
0xc4: {  	[tilespmem:v3+s7+$0x0] =	vst.idx.add.s32.msk $0xffff, v1  }
0xc5: {  	[tilespmem:v4+s7+$0x0] =	vst.idx.add.s32.msk $0xffff, v1  }
.Ltmp4:
0xc6: {  	[tilespmem:v5+s7+$0x0] =	vst.idx.add.s32.msk $0xffff, v1;
	(pc) =	sbr.rel @p0 .LBB2_10-.Ltmp4, $4  }
0xc7: {  	[tilespmem:v6+s7+$0x0] =	vst.idx.add.s32.msk $0xffff, v1  }
0xc8: {  	[tilespmem:v7+s7+$0x0] =	vst.idx.add.s32.msk $0xffff, v1  }
0xc9: {  	[tilespmem:v8+s7+$0x0] =	vst.idx.add.s32.msk $0xffff, v1  }
0xca: {  	[tilespmem:v9+s7+$0x0] =	vst.idx.add.s32.msk $0xffff, v1  }
0xcb: {  	_ =	sdelay $0x3  }
0xcc: {  	[tilespmem:v2+s7+$0x0] =	vst.idx.add.s32.msk $0xffff, v1  }
0xcd: {  	s18 =	rddreg [dreg:$0x9]  }
0xce: {  	[tilespmem:s5], [sflag:$0x2] =	stream.linear.gather [hbm4b:s18+s1], $0x4000, $0x38;
	[tilespmem:$0x18000] =	vst v63  }
0xcf: {  	_ =	swait.ge [sflag:s6], $0x4000  }
0xd0: {  	[sflag:s6] =	ssyncset.done $0x0  }
0xd1: {  	s18 =	simm.s32 $0x40;
	[sflag:s6] =	ssyncadd.s32 $0xFFFFC000  }
0xd2: {  	v3 =	vld [tilespmem:s18+$0xFFFFFFC0]  }
0xd3: {  	v4 =	vld [tilespmem:s18+$0x30]  }
0xd4: {  	v5 =	vld [tilespmem:s18+$0x20]  }
0xd5: {  	v6 =	vld [tilespmem:s18+$0x10]  }
0xd6: {  	v7 =	vld [tilespmem:s18+$0x0]  }
0xd7: {  	v8 =	vld [tilespmem:s18+$0xFFFFFFF0]  }
0xd8: {  	v9 =	vld [tilespmem:s18+$0xFFFFFFE0]  }
0xd9: {  	v2 =	vld [tilespmem:s18+$0xFFFFFFD0]  }
0xda: {  	[tilespmem:v3+s7+$0x0] =	vst.idx.add.s32.msk $0xffff, v1  }
0xdb: {  	[tilespmem:v4+s7+$0x0] =	vst.idx.add.s32.msk $0xffff, v1  }
0xdc: {  	[tilespmem:v5+s7+$0x0] =	vst.idx.add.s32.msk $0xffff, v1  }
0xdd: {  	[tilespmem:v6+s7+$0x0] =	vst.idx.add.s32.msk $0xffff, v1  }
0xde: {  	[tilespmem:v7+s7+$0x0] =	vst.idx.add.s32.msk $0xffff, v1  }
0xdf: {  	[tilespmem:v8+s7+$0x0] =	vst.idx.add.s32.msk $0xffff, v1  }
0xe0: {  	s19 =	simm.s32 $0x0;
	[tilespmem:v9+s7+$0x0] =	vst.idx.add.s32.msk $0xffff, v1  }
.LBB2_12:
0xe1: {  	s19 =	sadd.s32 $0x8, s19;
	[tilespmem:v2+s7+$0x0] =	vst.idx.add.s32.msk $0xffff, v1;
	s18 =	sadd.s32 $0x80, s18  }
0xe2: {  	v3 =	vld [tilespmem:s18+$0xFFFFFFC0];
	p0 =	slt.u32 s19, $0x3F8  }
0xe3: {  	v4 =	vld [tilespmem:s18+$0x30]  }
0xe4: {  	v5 =	vld [tilespmem:s18+$0x20]  }
0xe5: {  	v6 =	vld [tilespmem:s18+$0x10]  }
0xe6: {  	v7 =	vld [tilespmem:s18+$0x0]  }
0xe7: {  	v8 =	vld [tilespmem:s18+$0xFFFFFFF0]  }
0xe8: {  	v9 =	vld [tilespmem:s18+$0xFFFFFFE0]  }
0xe9: {  	v2 =	vld [tilespmem:s18+$0xFFFFFFD0]  }
0xea: {  	[tilespmem:v3+s7+$0x0] =	vst.idx.add.s32.msk $0xffff, v1  }
0xeb: {  	[tilespmem:v4+s7+$0x0] =	vst.idx.add.s32.msk $0xffff, v1  }
.Ltmp5:
0xec: {  	[tilespmem:v5+s7+$0x0] =	vst.idx.add.s32.msk $0xffff, v1;
	(pc) =	sbr.rel @p0 .LBB2_12-.Ltmp5, $4  }
0xed: {  	[tilespmem:v6+s7+$0x0] =	vst.idx.add.s32.msk $0xffff, v1  }
0xee: {  	[tilespmem:v7+s7+$0x0] =	vst.idx.add.s32.msk $0xffff, v1  }
0xef: {  	[tilespmem:v8+s7+$0x0] =	vst.idx.add.s32.msk $0xffff, v1  }
0xf0: {  	[tilespmem:v9+s7+$0x0] =	vst.idx.add.s32.msk $0xffff, v1  }
0xf1: {  	_ =	sdelay $0x3  }
0xf2: {  	[tilespmem:v2+s7+$0x0] =	vst.idx.add.s32.msk $0xffff, v1  }
0xf3: {  	s18 =	rddreg [dreg:$0xa]  }
0xf4: {  	[tilespmem:s1], [sflag:$0x1] =	stream.linear.gather [hbm4b:s18+s1], $0x4000, $0x38;
	[tilespmem:$0x18000] =	vst v63  }
0xf5: {  	_ =	swait.ge [sflag:s8], $0x4000  }
0xf6: {  	[sflag:s8] =	ssyncset.done $0x0  }
0xf7: {  	s18 =	simm.s32 $0x4040;
	[sflag:s8] =	ssyncadd.s32 $0xFFFFC000  }
0xf8: {  	v3 =	vld [tilespmem:s18+$0xFFFFFFC0]  }
0xf9: {  	v4 =	vld [tilespmem:s18+$0x30]  }
0xfa: {  	v5 =	vld [tilespmem:s18+$0x20]  }
0xfb: {  	v6 =	vld [tilespmem:s18+$0x10]  }
0xfc: {  	v7 =	vld [tilespmem:s18+$0x0]  }
0xfd: {  	v8 =	vld [tilespmem:s18+$0xFFFFFFF0]  }
0xfe: {  	v9 =	vld [tilespmem:s18+$0xFFFFFFE0]  }
0xff: {  	v2 =	vld [tilespmem:s18+$0xFFFFFFD0]  }
0x100: {  	[tilespmem:v3+s7+$0x0] =	vst.idx.add.s32.msk $0xffff, v1  }
0x101: {  	[tilespmem:v4+s7+$0x0] =	vst.idx.add.s32.msk $0xffff, v1  }
0x102: {  	[tilespmem:v5+s7+$0x0] =	vst.idx.add.s32.msk $0xffff, v1  }
0x103: {  	[tilespmem:v6+s7+$0x0] =	vst.idx.add.s32.msk $0xffff, v1  }
0x104: {  	[tilespmem:v7+s7+$0x0] =	vst.idx.add.s32.msk $0xffff, v1  }
0x105: {  	[tilespmem:v8+s7+$0x0] =	vst.idx.add.s32.msk $0xffff, v1  }
0x106: {  	s19 =	simm.s32 $0x0;
	[tilespmem:v9+s7+$0x0] =	vst.idx.add.s32.msk $0xffff, v1  }
.LBB2_14:
0x107: {  	s19 =	sadd.s32 $0x8, s19;
	[tilespmem:v2+s7+$0x0] =	vst.idx.add.s32.msk $0xffff, v1;
	s18 =	sadd.s32 $0x80, s18  }
0x108: {  	v3 =	vld [tilespmem:s18+$0xFFFFFFC0];
	p0 =	slt.u32 s19, $0x3F8  }
0x109: {  	v4 =	vld [tilespmem:s18+$0x30]  }
0x10a: {  	v5 =	vld [tilespmem:s18+$0x20]  }
0x10b: {  	v6 =	vld [tilespmem:s18+$0x10]  }
0x10c: {  	v7 =	vld [tilespmem:s18+$0x0]  }
0x10d: {  	v8 =	vld [tilespmem:s18+$0xFFFFFFF0]  }
0x10e: {  	v9 =	vld [tilespmem:s18+$0xFFFFFFE0]  }
0x10f: {  	v2 =	vld [tilespmem:s18+$0xFFFFFFD0]  }
0x110: {  	[tilespmem:v3+s7+$0x0] =	vst.idx.add.s32.msk $0xffff, v1  }
0x111: {  	[tilespmem:v4+s7+$0x0] =	vst.idx.add.s32.msk $0xffff, v1  }
.Ltmp6:
0x112: {  	[tilespmem:v5+s7+$0x0] =	vst.idx.add.s32.msk $0xffff, v1;
	(pc) =	sbr.rel @p0 .LBB2_14-.Ltmp6, $4  }
0x113: {  	[tilespmem:v6+s7+$0x0] =	vst.idx.add.s32.msk $0xffff, v1  }
0x114: {  	[tilespmem:v7+s7+$0x0] =	vst.idx.add.s32.msk $0xffff, v1  }
0x115: {  	[tilespmem:v8+s7+$0x0] =	vst.idx.add.s32.msk $0xffff, v1  }
0x116: {  	[tilespmem:v9+s7+$0x0] =	vst.idx.add.s32.msk $0xffff, v1  }
0x117: {  	_ =	sdelay $0x3  }
0x118: {  	[tilespmem:v2+s7+$0x0] =	vst.idx.add.s32.msk $0xffff, v1  }
0x119: {  	s18 =	rddreg [dreg:$0xb]  }
0x11a: {  	[tilespmem:s5], [sflag:$0x2] =	stream.linear.gather [hbm4b:s18+s1], $0x4000, $0x38;
	[tilespmem:$0x18000] =	vst v63  }
0x11b: {  	_ =	swait.ge [sflag:s6], $0x4000  }
0x11c: {  	[sflag:s6] =	ssyncset.done $0x0  }
0x11d: {  	s18 =	simm.s32 $0x40;
	[sflag:s6] =	ssyncadd.s32 $0xFFFFC000  }
0x11e: {  	v3 =	vld [tilespmem:s18+$0xFFFFFFC0]  }
0x11f: {  	v4 =	vld [tilespmem:s18+$0x30]  }
0x120: {  	v5 =	vld [tilespmem:s18+$0x20]  }
0x121: {  	v6 =	vld [tilespmem:s18+$0x10]  }
0x122: {  	v7 =	vld [tilespmem:s18+$0x0]  }
0x123: {  	v8 =	vld [tilespmem:s18+$0xFFFFFFF0]  }
0x124: {  	v9 =	vld [tilespmem:s18+$0xFFFFFFE0]  }
0x125: {  	v2 =	vld [tilespmem:s18+$0xFFFFFFD0]  }
0x126: {  	[tilespmem:v3+s7+$0x0] =	vst.idx.add.s32.msk $0xffff, v1  }
0x127: {  	[tilespmem:v4+s7+$0x0] =	vst.idx.add.s32.msk $0xffff, v1  }
0x128: {  	[tilespmem:v5+s7+$0x0] =	vst.idx.add.s32.msk $0xffff, v1  }
0x129: {  	[tilespmem:v6+s7+$0x0] =	vst.idx.add.s32.msk $0xffff, v1  }
0x12a: {  	[tilespmem:v7+s7+$0x0] =	vst.idx.add.s32.msk $0xffff, v1  }
0x12b: {  	[tilespmem:v8+s7+$0x0] =	vst.idx.add.s32.msk $0xffff, v1  }
0x12c: {  	s19 =	simm.s32 $0x0;
	[tilespmem:v9+s7+$0x0] =	vst.idx.add.s32.msk $0xffff, v1  }
.LBB2_16:
0x12d: {  	s19 =	sadd.s32 $0x8, s19;
	[tilespmem:v2+s7+$0x0] =	vst.idx.add.s32.msk $0xffff, v1;
	s18 =	sadd.s32 $0x80, s18  }
0x12e: {  	v3 =	vld [tilespmem:s18+$0xFFFFFFC0];
	p0 =	slt.u32 s19, $0x3F8  }
0x12f: {  	v4 =	vld [tilespmem:s18+$0x30]  }
0x130: {  	v5 =	vld [tilespmem:s18+$0x20]  }
0x131: {  	v6 =	vld [tilespmem:s18+$0x10]  }
0x132: {  	v7 =	vld [tilespmem:s18+$0x0]  }
0x133: {  	v8 =	vld [tilespmem:s18+$0xFFFFFFF0]  }
0x134: {  	v9 =	vld [tilespmem:s18+$0xFFFFFFE0]  }
0x135: {  	v2 =	vld [tilespmem:s18+$0xFFFFFFD0]  }
0x136: {  	[tilespmem:v3+s7+$0x0] =	vst.idx.add.s32.msk $0xffff, v1  }
0x137: {  	[tilespmem:v4+s7+$0x0] =	vst.idx.add.s32.msk $0xffff, v1  }
.Ltmp7:
0x138: {  	[tilespmem:v5+s7+$0x0] =	vst.idx.add.s32.msk $0xffff, v1;
	(pc) =	sbr.rel @p0 .LBB2_16-.Ltmp7, $4  }
0x139: {  	[tilespmem:v6+s7+$0x0] =	vst.idx.add.s32.msk $0xffff, v1  }
0x13a: {  	[tilespmem:v7+s7+$0x0] =	vst.idx.add.s32.msk $0xffff, v1  }
0x13b: {  	[tilespmem:v8+s7+$0x0] =	vst.idx.add.s32.msk $0xffff, v1  }
0x13c: {  	[tilespmem:v9+s7+$0x0] =	vst.idx.add.s32.msk $0xffff, v1  }
0x13d: {  	_ =	sdelay $0x3  }
0x13e: {  	[tilespmem:v2+s7+$0x0] =	vst.idx.add.s32.msk $0xffff, v1  }
0x13f: {  	s18 =	rddreg [dreg:$0xc]  }
0x140: {  	[tilespmem:s1], [sflag:$0x1] =	stream.linear.gather [hbm4b:s18+s1], $0x4000, $0x38;
	[tilespmem:$0x18000] =	vst v63  }
0x141: {  	_ =	swait.ge [sflag:s8], $0x4000  }
0x142: {  	[sflag:s8] =	ssyncset.done $0x0  }
0x143: {  	s18 =	simm.s32 $0x4040;
	[sflag:s8] =	ssyncadd.s32 $0xFFFFC000  }
0x144: {  	v3 =	vld [tilespmem:s18+$0xFFFFFFC0]  }
0x145: {  	v4 =	vld [tilespmem:s18+$0x30]  }
0x146: {  	v5 =	vld [tilespmem:s18+$0x20]  }
0x147: {  	v6 =	vld [tilespmem:s18+$0x10]  }
0x148: {  	v7 =	vld [tilespmem:s18+$0x0]  }
0x149: {  	v8 =	vld [tilespmem:s18+$0xFFFFFFF0]  }
0x14a: {  	v9 =	vld [tilespmem:s18+$0xFFFFFFE0]  }
0x14b: {  	v2 =	vld [tilespmem:s18+$0xFFFFFFD0]  }
0x14c: {  	[tilespmem:v3+s7+$0x0] =	vst.idx.add.s32.msk $0xffff, v1  }
0x14d: {  	[tilespmem:v4+s7+$0x0] =	vst.idx.add.s32.msk $0xffff, v1  }
0x14e: {  	[tilespmem:v5+s7+$0x0] =	vst.idx.add.s32.msk $0xffff, v1  }
0x14f: {  	[tilespmem:v6+s7+$0x0] =	vst.idx.add.s32.msk $0xffff, v1  }
0x150: {  	[tilespmem:v7+s7+$0x0] =	vst.idx.add.s32.msk $0xffff, v1  }
0x151: {  	[tilespmem:v8+s7+$0x0] =	vst.idx.add.s32.msk $0xffff, v1  }
0x152: {  	s19 =	simm.s32 $0x0;
	[tilespmem:v9+s7+$0x0] =	vst.idx.add.s32.msk $0xffff, v1  }
.LBB2_18:
0x153: {  	s19 =	sadd.s32 $0x8, s19;
	[tilespmem:v2+s7+$0x0] =	vst.idx.add.s32.msk $0xffff, v1;
	s18 =	sadd.s32 $0x80, s18  }
0x154: {  	v3 =	vld [tilespmem:s18+$0xFFFFFFC0];
	p0 =	slt.u32 s19, $0x3F8  }
0x155: {  	v4 =	vld [tilespmem:s18+$0x30]  }
0x156: {  	v5 =	vld [tilespmem:s18+$0x20]  }
0x157: {  	v6 =	vld [tilespmem:s18+$0x10]  }
0x158: {  	v7 =	vld [tilespmem:s18+$0x0]  }
0x159: {  	v8 =	vld [tilespmem:s18+$0xFFFFFFF0]  }
0x15a: {  	v9 =	vld [tilespmem:s18+$0xFFFFFFE0]  }
0x15b: {  	v2 =	vld [tilespmem:s18+$0xFFFFFFD0]  }
0x15c: {  	[tilespmem:v3+s7+$0x0] =	vst.idx.add.s32.msk $0xffff, v1  }
0x15d: {  	[tilespmem:v4+s7+$0x0] =	vst.idx.add.s32.msk $0xffff, v1  }
.Ltmp8:
0x15e: {  	[tilespmem:v5+s7+$0x0] =	vst.idx.add.s32.msk $0xffff, v1;
	(pc) =	sbr.rel @p0 .LBB2_18-.Ltmp8, $4  }
0x15f: {  	[tilespmem:v6+s7+$0x0] =	vst.idx.add.s32.msk $0xffff, v1  }
0x160: {  	[tilespmem:v7+s7+$0x0] =	vst.idx.add.s32.msk $0xffff, v1  }
0x161: {  	[tilespmem:v8+s7+$0x0] =	vst.idx.add.s32.msk $0xffff, v1  }
0x162: {  	[tilespmem:v9+s7+$0x0] =	vst.idx.add.s32.msk $0xffff, v1  }
0x163: {  	_ =	sdelay $0x3  }
0x164: {  	[tilespmem:v2+s7+$0x0] =	vst.idx.add.s32.msk $0xffff, v1  }
0x165: {  	s18 =	rddreg [dreg:$0xd]  }
0x166: {  	[hbm4b:s18+s1] =	stream.linear.scatter [tilespmem:s7], [sflag:$0x3], $0x2000, $0x38;
	[tilespmem:$0x18000] =	vst v63  }
0x167: {  	s19 =	rddreg [dreg:$0xe]  }
0x168: {  	[hbm4b:s19+s1] =	stream.linear.scatter [tilespmem:s9], [sflag:$0x3], $0x2000, $0x38;
	[tilespmem:$0x18000] =	vst v63  }
0x169: {  	_ = 	snop  }
0x16a: {  	[hbm4b:s20+s1] =	stream.linear.scatter [tilespmem:s10], [sflag:$0x3], $0x2000, $0x38;
	[tilespmem:$0x18000] =	vst v63  }
0x16b: {  	_ = 	snop  }
0x16c: {  	[hbm4b:s21+s1] =	stream.linear.scatter [tilespmem:s11], [sflag:$0x3], $0x2000, $0x38;
	[tilespmem:$0x18000] =	vst v63  }
0x16d: {  	_ = 	snop  }
0x16e: {  	[hbm4b:s22+s1] =	stream.linear.scatter [tilespmem:s12], [sflag:$0x3], $0x2000, $0x38;
	[tilespmem:$0x18000] =	vst v63  }
0x16f: {  	_ = 	snop  }
0x170: {  	[hbm4b:s23+s1] =	stream.linear.scatter [tilespmem:s13], [sflag:$0x3], $0x2000, $0x38;
	[tilespmem:$0x18000] =	vst v63  }
0x171: {  	_ = 	snop  }
0x172: {  	[hbm4b:s24+s1] =	stream.linear.scatter [tilespmem:s14], [sflag:$0x3], $0x2000, $0x38;
	[tilespmem:$0x18000] =	vst v63  }
0x173: {  	_ = 	snop  }
0x174: {  	[hbm4b:s25+s1] =	stream.linear.scatter [tilespmem:s15], [sflag:$0x3], $0x2000, $0x38;
	[tilespmem:$0x18000] =	vst v63  }
0x175: {  	_ =	swait.ge [sflag:s16], $0x2000  }
0x176: {  	[sflag:s16] =	ssyncset.done $0x0  }
0x177: {  	[sflag:s16] =	ssyncadd.s32 $0xFFFFE000  }
0x178: {  	_ =	swait.ge [sflag:s16], $0x2000  }
0x179: {  	[sflag:s16] =	ssyncset.done $0x0  }
0x17a: {  	[sflag:s16] =	ssyncadd.s32 $0xFFFFE000  }
0x17b: {  	_ =	swait.ge [sflag:s16], $0x2000  }
0x17c: {  	[sflag:s16] =	ssyncset.done $0x0  }
0x17d: {  	[sflag:s16] =	ssyncadd.s32 $0xFFFFE000  }
0x17e: {  	_ =	swait.ge [sflag:s16], $0x2000  }
0x17f: {  	[sflag:s16] =	ssyncset.done $0x0  }
0x180: {  	[sflag:s16] =	ssyncadd.s32 $0xFFFFE000  }
0x181: {  	_ =	swait.ge [sflag:s16], $0x2000  }
0x182: {  	[sflag:s16] =	ssyncset.done $0x0  }
0x183: {  	[sflag:s16] =	ssyncadd.s32 $0xFFFFE000  }
0x184: {  	_ =	swait.ge [sflag:s16], $0x2000  }
0x185: {  	[sflag:s16] =	ssyncset.done $0x0  }
0x186: {  	[sflag:s16] =	ssyncadd.s32 $0xFFFFE000  }
0x187: {  	_ =	swait.ge [sflag:s16], $0x2000  }
0x188: {  	[sflag:s16] =	ssyncset.done $0x0  }
0x189: {  	[sflag:s16] =	ssyncadd.s32 $0xFFFFE000  }
0x18a: {  	_ =	swait.ge [sflag:s16], $0x2000  }
0x18b: {  	[sflag:s16] =	ssyncset.done $0x0  }
0x18c: {  	s19 =	rddreg [dreg:$0xf];
	[sflag:s16] =	ssyncadd.s32 $0xFFFFE000  }
0x18d: {  	[tilespmem:s5], [sflag:$0x2] =	stream.linear.gather [hbm4b:s19+s1], $0x4000, $0x38;
	[tilespmem:$0x18000] =	vst v63  }
0x18e: {  	_ =	swait.ge [sflag:s6], $0x4000  }
0x18f: {  	[sflag:s6] =	ssyncset.done $0x0  }
0x190: {  	s18 =	simm.s32 $0x40;
	[sflag:s6] =	ssyncadd.s32 $0xFFFFC000  }
0x191: {  	v3 =	vld [tilespmem:s18+$0xFFFFFFC0]  }
0x192: {  	v4 =	vld [tilespmem:s18+$0x30]  }
0x193: {  	v5 =	vld [tilespmem:s18+$0x20]  }
0x194: {  	v6 =	vld [tilespmem:s18+$0x10]  }
0x195: {  	v7 =	vld [tilespmem:s18+$0x0]  }
0x196: {  	v8 =	vld [tilespmem:s18+$0xFFFFFFF0]  }
0x197: {  	v9 =	vld [tilespmem:s18+$0xFFFFFFE0]  }
0x198: {  	v2 =	vld [tilespmem:s18+$0xFFFFFFD0]  }
0x199: {  	[tilespmem:v3+s7+$0x0] =	vst.idx.add.s32.msk $0xffff, v1  }
0x19a: {  	[tilespmem:v4+s7+$0x0] =	vst.idx.add.s32.msk $0xffff, v1  }
0x19b: {  	[tilespmem:v5+s7+$0x0] =	vst.idx.add.s32.msk $0xffff, v1  }
0x19c: {  	[tilespmem:v6+s7+$0x0] =	vst.idx.add.s32.msk $0xffff, v1  }
0x19d: {  	[tilespmem:v7+s7+$0x0] =	vst.idx.add.s32.msk $0xffff, v1  }
0x19e: {  	[tilespmem:v8+s7+$0x0] =	vst.idx.add.s32.msk $0xffff, v1  }
0x19f: {  	s19 =	simm.s32 $0x0;
	[tilespmem:v9+s7+$0x0] =	vst.idx.add.s32.msk $0xffff, v1  }
.LBB2_20:
0x1a0: {  	s19 =	sadd.s32 $0x8, s19;
	[tilespmem:v2+s7+$0x0] =	vst.idx.add.s32.msk $0xffff, v1;
	s18 =	sadd.s32 $0x80, s18  }
0x1a1: {  	v3 =	vld [tilespmem:s18+$0xFFFFFFC0];
	p0 =	slt.u32 s19, $0x3F8  }
0x1a2: {  	v4 =	vld [tilespmem:s18+$0x30]  }
0x1a3: {  	v5 =	vld [tilespmem:s18+$0x20]  }
0x1a4: {  	v6 =	vld [tilespmem:s18+$0x10]  }
0x1a5: {  	v7 =	vld [tilespmem:s18+$0x0]  }
0x1a6: {  	v8 =	vld [tilespmem:s18+$0xFFFFFFF0]  }
0x1a7: {  	v9 =	vld [tilespmem:s18+$0xFFFFFFE0]  }
0x1a8: {  	v2 =	vld [tilespmem:s18+$0xFFFFFFD0]  }
0x1a9: {  	[tilespmem:v3+s7+$0x0] =	vst.idx.add.s32.msk $0xffff, v1  }
0x1aa: {  	[tilespmem:v4+s7+$0x0] =	vst.idx.add.s32.msk $0xffff, v1  }
.Ltmp9:
0x1ab: {  	[tilespmem:v5+s7+$0x0] =	vst.idx.add.s32.msk $0xffff, v1;
	(pc) =	sbr.rel @p0 .LBB2_20-.Ltmp9, $4  }
0x1ac: {  	[tilespmem:v6+s7+$0x0] =	vst.idx.add.s32.msk $0xffff, v1  }
0x1ad: {  	[tilespmem:v7+s7+$0x0] =	vst.idx.add.s32.msk $0xffff, v1  }
0x1ae: {  	[tilespmem:v8+s7+$0x0] =	vst.idx.add.s32.msk $0xffff, v1  }
0x1af: {  	[tilespmem:v9+s7+$0x0] =	vst.idx.add.s32.msk $0xffff, v1  }
0x1b0: {  	_ =	sdelay $0x3  }
0x1b1: {  	[tilespmem:v2+s7+$0x0] =	vst.idx.add.s32.msk $0xffff, v1  }
0x1b2: {  	s18 =	rddreg [dreg:$0x10]  }
0x1b3: {  	[tilespmem:s1], [sflag:$0x1] =	stream.linear.gather [hbm4b:s18+s1], $0x4000, $0x38;
	[tilespmem:$0x18000] =	vst v63  }
0x1b4: {  	_ =	swait.ge [sflag:s8], $0x4000  }
0x1b5: {  	[sflag:s8] =	ssyncset.done $0x0  }
0x1b6: {  	s18 =	simm.s32 $0x4040;
	[sflag:s8] =	ssyncadd.s32 $0xFFFFC000  }
0x1b7: {  	v3 =	vld [tilespmem:s18+$0xFFFFFFC0]  }
0x1b8: {  	v4 =	vld [tilespmem:s18+$0x30]  }
0x1b9: {  	v5 =	vld [tilespmem:s18+$0x20]  }
0x1ba: {  	v6 =	vld [tilespmem:s18+$0x10]  }
0x1bb: {  	v7 =	vld [tilespmem:s18+$0x0]  }
0x1bc: {  	v8 =	vld [tilespmem:s18+$0xFFFFFFF0]  }
0x1bd: {  	v9 =	vld [tilespmem:s18+$0xFFFFFFE0]  }
0x1be: {  	v2 =	vld [tilespmem:s18+$0xFFFFFFD0]  }
0x1bf: {  	[tilespmem:v3+s7+$0x0] =	vst.idx.add.s32.msk $0xffff, v1  }
0x1c0: {  	[tilespmem:v4+s7+$0x0] =	vst.idx.add.s32.msk $0xffff, v1  }
0x1c1: {  	[tilespmem:v5+s7+$0x0] =	vst.idx.add.s32.msk $0xffff, v1  }
0x1c2: {  	[tilespmem:v6+s7+$0x0] =	vst.idx.add.s32.msk $0xffff, v1  }
0x1c3: {  	[tilespmem:v7+s7+$0x0] =	vst.idx.add.s32.msk $0xffff, v1  }
0x1c4: {  	[tilespmem:v8+s7+$0x0] =	vst.idx.add.s32.msk $0xffff, v1  }
0x1c5: {  	s19 =	simm.s32 $0x0;
	[tilespmem:v9+s7+$0x0] =	vst.idx.add.s32.msk $0xffff, v1  }
.LBB2_22:
0x1c6: {  	s19 =	sadd.s32 $0x8, s19;
	[tilespmem:v2+s7+$0x0] =	vst.idx.add.s32.msk $0xffff, v1;
	s18 =	sadd.s32 $0x80, s18  }
0x1c7: {  	v3 =	vld [tilespmem:s18+$0xFFFFFFC0];
	p0 =	slt.u32 s19, $0x3F8  }
0x1c8: {  	v4 =	vld [tilespmem:s18+$0x30]  }
0x1c9: {  	v5 =	vld [tilespmem:s18+$0x20]  }
0x1ca: {  	v6 =	vld [tilespmem:s18+$0x10]  }
0x1cb: {  	v7 =	vld [tilespmem:s18+$0x0]  }
0x1cc: {  	v8 =	vld [tilespmem:s18+$0xFFFFFFF0]  }
0x1cd: {  	v9 =	vld [tilespmem:s18+$0xFFFFFFE0]  }
0x1ce: {  	v2 =	vld [tilespmem:s18+$0xFFFFFFD0]  }
0x1cf: {  	[tilespmem:v3+s7+$0x0] =	vst.idx.add.s32.msk $0xffff, v1  }
0x1d0: {  	[tilespmem:v4+s7+$0x0] =	vst.idx.add.s32.msk $0xffff, v1  }
.Ltmp10:
0x1d1: {  	[tilespmem:v5+s7+$0x0] =	vst.idx.add.s32.msk $0xffff, v1;
	(pc) =	sbr.rel @p0 .LBB2_22-.Ltmp10, $4  }
0x1d2: {  	[tilespmem:v6+s7+$0x0] =	vst.idx.add.s32.msk $0xffff, v1  }
0x1d3: {  	[tilespmem:v7+s7+$0x0] =	vst.idx.add.s32.msk $0xffff, v1  }
0x1d4: {  	[tilespmem:v8+s7+$0x0] =	vst.idx.add.s32.msk $0xffff, v1  }
0x1d5: {  	[tilespmem:v9+s7+$0x0] =	vst.idx.add.s32.msk $0xffff, v1  }
0x1d6: {  	_ =	sdelay $0x3  }
0x1d7: {  	[tilespmem:v2+s7+$0x0] =	vst.idx.add.s32.msk $0xffff, v1  }
0x1d8: {  	s18 =	rddreg [dreg:$0x11]  }
0x1d9: {  	[tilespmem:s5], [sflag:$0x2] =	stream.linear.gather [hbm4b:s18+s1], $0x4000, $0x38;
	[tilespmem:$0x18000] =	vst v63  }
0x1da: {  	_ =	swait.ge [sflag:s6], $0x4000  }
0x1db: {  	[sflag:s6] =	ssyncset.done $0x0  }
0x1dc: {  	s18 =	simm.s32 $0x40;
	[sflag:s6] =	ssyncadd.s32 $0xFFFFC000  }
0x1dd: {  	v3 =	vld [tilespmem:s18+$0xFFFFFFC0]  }
0x1de: {  	v4 =	vld [tilespmem:s18+$0x30]  }
0x1df: {  	v5 =	vld [tilespmem:s18+$0x20]  }
0x1e0: {  	v6 =	vld [tilespmem:s18+$0x10]  }
0x1e1: {  	v7 =	vld [tilespmem:s18+$0x0]  }
0x1e2: {  	v8 =	vld [tilespmem:s18+$0xFFFFFFF0]  }
0x1e3: {  	v9 =	vld [tilespmem:s18+$0xFFFFFFE0]  }
0x1e4: {  	v2 =	vld [tilespmem:s18+$0xFFFFFFD0]  }
0x1e5: {  	[tilespmem:v3+s7+$0x0] =	vst.idx.add.s32.msk $0xffff, v1  }
0x1e6: {  	[tilespmem:v4+s7+$0x0] =	vst.idx.add.s32.msk $0xffff, v1  }
0x1e7: {  	[tilespmem:v5+s7+$0x0] =	vst.idx.add.s32.msk $0xffff, v1  }
0x1e8: {  	[tilespmem:v6+s7+$0x0] =	vst.idx.add.s32.msk $0xffff, v1  }
0x1e9: {  	[tilespmem:v7+s7+$0x0] =	vst.idx.add.s32.msk $0xffff, v1  }
0x1ea: {  	[tilespmem:v8+s7+$0x0] =	vst.idx.add.s32.msk $0xffff, v1  }
0x1eb: {  	s19 =	simm.s32 $0x0;
	[tilespmem:v9+s7+$0x0] =	vst.idx.add.s32.msk $0xffff, v1  }
.LBB2_24:
0x1ec: {  	s19 =	sadd.s32 $0x8, s19;
	[tilespmem:v2+s7+$0x0] =	vst.idx.add.s32.msk $0xffff, v1;
	s18 =	sadd.s32 $0x80, s18  }
0x1ed: {  	v3 =	vld [tilespmem:s18+$0xFFFFFFC0];
	p0 =	slt.u32 s19, $0x3F8  }
0x1ee: {  	v4 =	vld [tilespmem:s18+$0x30]  }
0x1ef: {  	v5 =	vld [tilespmem:s18+$0x20]  }
0x1f0: {  	v6 =	vld [tilespmem:s18+$0x10]  }
0x1f1: {  	v7 =	vld [tilespmem:s18+$0x0]  }
0x1f2: {  	v8 =	vld [tilespmem:s18+$0xFFFFFFF0]  }
0x1f3: {  	v9 =	vld [tilespmem:s18+$0xFFFFFFE0]  }
0x1f4: {  	v2 =	vld [tilespmem:s18+$0xFFFFFFD0]  }
0x1f5: {  	[tilespmem:v3+s7+$0x0] =	vst.idx.add.s32.msk $0xffff, v1  }
0x1f6: {  	[tilespmem:v4+s7+$0x0] =	vst.idx.add.s32.msk $0xffff, v1  }
.Ltmp11:
0x1f7: {  	[tilespmem:v5+s7+$0x0] =	vst.idx.add.s32.msk $0xffff, v1;
	(pc) =	sbr.rel @p0 .LBB2_24-.Ltmp11, $4  }
0x1f8: {  	[tilespmem:v6+s7+$0x0] =	vst.idx.add.s32.msk $0xffff, v1  }
0x1f9: {  	[tilespmem:v7+s7+$0x0] =	vst.idx.add.s32.msk $0xffff, v1  }
0x1fa: {  	[tilespmem:v8+s7+$0x0] =	vst.idx.add.s32.msk $0xffff, v1  }
0x1fb: {  	[tilespmem:v9+s7+$0x0] =	vst.idx.add.s32.msk $0xffff, v1  }
0x1fc: {  	_ =	sdelay $0x3  }
0x1fd: {  	[tilespmem:v2+s7+$0x0] =	vst.idx.add.s32.msk $0xffff, v1  }
0x1fe: {  	s18 =	rddreg [dreg:$0x12]  }
0x1ff: {  	[tilespmem:s1], [sflag:$0x1] =	stream.linear.gather [hbm4b:s18+s1], $0x4000, $0x38;
	[tilespmem:$0x18000] =	vst v63  }
0x200: {  	_ =	swait.ge [sflag:s8], $0x4000  }
0x201: {  	[sflag:s8] =	ssyncset.done $0x0  }
0x202: {  	s18 =	simm.s32 $0x4040;
	[sflag:s8] =	ssyncadd.s32 $0xFFFFC000  }
0x203: {  	v3 =	vld [tilespmem:s18+$0xFFFFFFC0]  }
0x204: {  	v4 =	vld [tilespmem:s18+$0x30]  }
0x205: {  	v5 =	vld [tilespmem:s18+$0x20]  }
0x206: {  	v6 =	vld [tilespmem:s18+$0x10]  }
0x207: {  	v7 =	vld [tilespmem:s18+$0x0]  }
0x208: {  	v8 =	vld [tilespmem:s18+$0xFFFFFFF0]  }
0x209: {  	v9 =	vld [tilespmem:s18+$0xFFFFFFE0]  }
0x20a: {  	v2 =	vld [tilespmem:s18+$0xFFFFFFD0]  }
0x20b: {  	[tilespmem:v3+s7+$0x0] =	vst.idx.add.s32.msk $0xffff, v1  }
0x20c: {  	[tilespmem:v4+s7+$0x0] =	vst.idx.add.s32.msk $0xffff, v1  }
0x20d: {  	[tilespmem:v5+s7+$0x0] =	vst.idx.add.s32.msk $0xffff, v1  }
0x20e: {  	[tilespmem:v6+s7+$0x0] =	vst.idx.add.s32.msk $0xffff, v1  }
0x20f: {  	[tilespmem:v7+s7+$0x0] =	vst.idx.add.s32.msk $0xffff, v1  }
0x210: {  	[tilespmem:v8+s7+$0x0] =	vst.idx.add.s32.msk $0xffff, v1  }
0x211: {  	s19 =	simm.s32 $0x0;
	[tilespmem:v9+s7+$0x0] =	vst.idx.add.s32.msk $0xffff, v1  }
.LBB2_26:
0x212: {  	s19 =	sadd.s32 $0x8, s19;
	[tilespmem:v2+s7+$0x0] =	vst.idx.add.s32.msk $0xffff, v1;
	s18 =	sadd.s32 $0x80, s18  }
0x213: {  	v3 =	vld [tilespmem:s18+$0xFFFFFFC0];
	p0 =	slt.u32 s19, $0x3F8  }
0x214: {  	v4 =	vld [tilespmem:s18+$0x30]  }
0x215: {  	v5 =	vld [tilespmem:s18+$0x20]  }
0x216: {  	v6 =	vld [tilespmem:s18+$0x10]  }
0x217: {  	v7 =	vld [tilespmem:s18+$0x0]  }
0x218: {  	v8 =	vld [tilespmem:s18+$0xFFFFFFF0]  }
0x219: {  	v9 =	vld [tilespmem:s18+$0xFFFFFFE0]  }
0x21a: {  	v2 =	vld [tilespmem:s18+$0xFFFFFFD0]  }
0x21b: {  	[tilespmem:v3+s7+$0x0] =	vst.idx.add.s32.msk $0xffff, v1  }
0x21c: {  	[tilespmem:v4+s7+$0x0] =	vst.idx.add.s32.msk $0xffff, v1  }
.Ltmp12:
0x21d: {  	[tilespmem:v5+s7+$0x0] =	vst.idx.add.s32.msk $0xffff, v1;
	(pc) =	sbr.rel @p0 .LBB2_26-.Ltmp12, $4  }
0x21e: {  	[tilespmem:v6+s7+$0x0] =	vst.idx.add.s32.msk $0xffff, v1  }
0x21f: {  	[tilespmem:v7+s7+$0x0] =	vst.idx.add.s32.msk $0xffff, v1  }
0x220: {  	[tilespmem:v8+s7+$0x0] =	vst.idx.add.s32.msk $0xffff, v1  }
0x221: {  	[tilespmem:v9+s7+$0x0] =	vst.idx.add.s32.msk $0xffff, v1  }
0x222: {  	_ =	sdelay $0x3  }
0x223: {  	[tilespmem:v2+s7+$0x0] =	vst.idx.add.s32.msk $0xffff, v1  }
0x224: {  	s18 =	rddreg [dreg:$0x13]  }
0x225: {  	[tilespmem:s5], [sflag:$0x2] =	stream.linear.gather [hbm4b:s18+s1], $0x4000, $0x38;
	[tilespmem:$0x18000] =	vst v63  }
0x226: {  	_ =	swait.ge [sflag:s6], $0x4000  }
0x227: {  	[sflag:s6] =	ssyncset.done $0x0  }
0x228: {  	s18 =	simm.s32 $0x40;
	[sflag:s6] =	ssyncadd.s32 $0xFFFFC000  }
0x229: {  	v3 =	vld [tilespmem:s18+$0xFFFFFFC0]  }
0x22a: {  	v4 =	vld [tilespmem:s18+$0x30]  }
0x22b: {  	v5 =	vld [tilespmem:s18+$0x20]  }
0x22c: {  	v6 =	vld [tilespmem:s18+$0x10]  }
0x22d: {  	v7 =	vld [tilespmem:s18+$0x0]  }
0x22e: {  	v8 =	vld [tilespmem:s18+$0xFFFFFFF0]  }
0x22f: {  	v9 =	vld [tilespmem:s18+$0xFFFFFFE0]  }
0x230: {  	v2 =	vld [tilespmem:s18+$0xFFFFFFD0]  }
0x231: {  	[tilespmem:v3+s7+$0x0] =	vst.idx.add.s32.msk $0xffff, v1  }
0x232: {  	[tilespmem:v4+s7+$0x0] =	vst.idx.add.s32.msk $0xffff, v1  }
0x233: {  	[tilespmem:v5+s7+$0x0] =	vst.idx.add.s32.msk $0xffff, v1  }
0x234: {  	[tilespmem:v6+s7+$0x0] =	vst.idx.add.s32.msk $0xffff, v1  }
0x235: {  	[tilespmem:v7+s7+$0x0] =	vst.idx.add.s32.msk $0xffff, v1  }
0x236: {  	[tilespmem:v8+s7+$0x0] =	vst.idx.add.s32.msk $0xffff, v1  }
0x237: {  	s19 =	simm.s32 $0x0;
	[tilespmem:v9+s7+$0x0] =	vst.idx.add.s32.msk $0xffff, v1  }
.LBB2_28:
0x238: {  	s19 =	sadd.s32 $0x8, s19;
	[tilespmem:v2+s7+$0x0] =	vst.idx.add.s32.msk $0xffff, v1;
	s18 =	sadd.s32 $0x80, s18  }
0x239: {  	v3 =	vld [tilespmem:s18+$0xFFFFFFC0];
	p0 =	slt.u32 s19, $0x3F8  }
0x23a: {  	v4 =	vld [tilespmem:s18+$0x30]  }
0x23b: {  	v5 =	vld [tilespmem:s18+$0x20]  }
0x23c: {  	v6 =	vld [tilespmem:s18+$0x10]  }
0x23d: {  	v7 =	vld [tilespmem:s18+$0x0]  }
0x23e: {  	v8 =	vld [tilespmem:s18+$0xFFFFFFF0]  }
0x23f: {  	v9 =	vld [tilespmem:s18+$0xFFFFFFE0]  }
0x240: {  	v2 =	vld [tilespmem:s18+$0xFFFFFFD0]  }
0x241: {  	[tilespmem:v3+s7+$0x0] =	vst.idx.add.s32.msk $0xffff, v1  }
0x242: {  	[tilespmem:v4+s7+$0x0] =	vst.idx.add.s32.msk $0xffff, v1  }
.Ltmp13:
0x243: {  	[tilespmem:v5+s7+$0x0] =	vst.idx.add.s32.msk $0xffff, v1;
	(pc) =	sbr.rel @p0 .LBB2_28-.Ltmp13, $4  }
0x244: {  	[tilespmem:v6+s7+$0x0] =	vst.idx.add.s32.msk $0xffff, v1  }
0x245: {  	[tilespmem:v7+s7+$0x0] =	vst.idx.add.s32.msk $0xffff, v1  }
0x246: {  	[tilespmem:v8+s7+$0x0] =	vst.idx.add.s32.msk $0xffff, v1  }
0x247: {  	[tilespmem:v9+s7+$0x0] =	vst.idx.add.s32.msk $0xffff, v1  }
0x248: {  	_ =	sdelay $0x3  }
0x249: {  	[tilespmem:v2+s7+$0x0] =	vst.idx.add.s32.msk $0xffff, v1  }
0x24a: {  	s18 =	rddreg [dreg:$0x14]  }
0x24b: {  	[tilespmem:s1], [sflag:$0x1] =	stream.linear.gather [hbm4b:s18+s1], $0x4000, $0x38;
	[tilespmem:$0x18000] =	vst v63  }
0x24c: {  	_ =	swait.ge [sflag:s8], $0x4000  }
0x24d: {  	[sflag:s8] =	ssyncset.done $0x0  }
0x24e: {  	s18 =	simm.s32 $0x4040;
	[sflag:s8] =	ssyncadd.s32 $0xFFFFC000  }
0x24f: {  	v3 =	vld [tilespmem:s18+$0xFFFFFFC0]  }
0x250: {  	v4 =	vld [tilespmem:s18+$0x30]  }
0x251: {  	v5 =	vld [tilespmem:s18+$0x20]  }
0x252: {  	v6 =	vld [tilespmem:s18+$0x10]  }
0x253: {  	v7 =	vld [tilespmem:s18+$0x0]  }
0x254: {  	v8 =	vld [tilespmem:s18+$0xFFFFFFF0]  }
0x255: {  	v9 =	vld [tilespmem:s18+$0xFFFFFFE0]  }
0x256: {  	v2 =	vld [tilespmem:s18+$0xFFFFFFD0]  }
0x257: {  	[tilespmem:v3+s7+$0x0] =	vst.idx.add.s32.msk $0xffff, v1  }
0x258: {  	[tilespmem:v4+s7+$0x0] =	vst.idx.add.s32.msk $0xffff, v1  }
0x259: {  	[tilespmem:v5+s7+$0x0] =	vst.idx.add.s32.msk $0xffff, v1  }
0x25a: {  	[tilespmem:v6+s7+$0x0] =	vst.idx.add.s32.msk $0xffff, v1  }
0x25b: {  	[tilespmem:v7+s7+$0x0] =	vst.idx.add.s32.msk $0xffff, v1  }
0x25c: {  	[tilespmem:v8+s7+$0x0] =	vst.idx.add.s32.msk $0xffff, v1  }
0x25d: {  	s19 =	simm.s32 $0x0;
	[tilespmem:v9+s7+$0x0] =	vst.idx.add.s32.msk $0xffff, v1  }
.LBB2_30:
0x25e: {  	s19 =	sadd.s32 $0x8, s19;
	[tilespmem:v2+s7+$0x0] =	vst.idx.add.s32.msk $0xffff, v1;
	s18 =	sadd.s32 $0x80, s18  }
0x25f: {  	v3 =	vld [tilespmem:s18+$0xFFFFFFC0];
	p0 =	slt.u32 s19, $0x3F8  }
0x260: {  	v4 =	vld [tilespmem:s18+$0x30]  }
0x261: {  	v5 =	vld [tilespmem:s18+$0x20]  }
0x262: {  	v6 =	vld [tilespmem:s18+$0x10]  }
0x263: {  	v7 =	vld [tilespmem:s18+$0x0]  }
0x264: {  	v8 =	vld [tilespmem:s18+$0xFFFFFFF0]  }
0x265: {  	v9 =	vld [tilespmem:s18+$0xFFFFFFE0]  }
0x266: {  	v2 =	vld [tilespmem:s18+$0xFFFFFFD0]  }
0x267: {  	[tilespmem:v3+s7+$0x0] =	vst.idx.add.s32.msk $0xffff, v1  }
0x268: {  	[tilespmem:v4+s7+$0x0] =	vst.idx.add.s32.msk $0xffff, v1  }
.Ltmp14:
0x269: {  	[tilespmem:v5+s7+$0x0] =	vst.idx.add.s32.msk $0xffff, v1;
	(pc) =	sbr.rel @p0 .LBB2_30-.Ltmp14, $4  }
0x26a: {  	[tilespmem:v6+s7+$0x0] =	vst.idx.add.s32.msk $0xffff, v1  }
0x26b: {  	[tilespmem:v7+s7+$0x0] =	vst.idx.add.s32.msk $0xffff, v1  }
0x26c: {  	[tilespmem:v8+s7+$0x0] =	vst.idx.add.s32.msk $0xffff, v1  }
0x26d: {  	[tilespmem:v9+s7+$0x0] =	vst.idx.add.s32.msk $0xffff, v1  }
0x26e: {  	_ =	sdelay $0x3  }
0x26f: {  	[tilespmem:v2+s7+$0x0] =	vst.idx.add.s32.msk $0xffff, v1  }
0x270: {  	s18 =	rddreg [dreg:$0x15]  }
0x271: {  	[tilespmem:s5], [sflag:$0x2] =	stream.linear.gather [hbm4b:s18+s1], $0x4000, $0x38;
	[tilespmem:$0x18000] =	vst v63  }
0x272: {  	_ =	swait.ge [sflag:s6], $0x4000  }
0x273: {  	[sflag:s6] =	ssyncset.done $0x0  }
0x274: {  	s18 =	simm.s32 $0x40;
	[sflag:s6] =	ssyncadd.s32 $0xFFFFC000  }
0x275: {  	v3 =	vld [tilespmem:s18+$0xFFFFFFC0]  }
0x276: {  	v4 =	vld [tilespmem:s18+$0x30]  }
0x277: {  	v5 =	vld [tilespmem:s18+$0x20]  }
0x278: {  	v6 =	vld [tilespmem:s18+$0x10]  }
0x279: {  	v7 =	vld [tilespmem:s18+$0x0]  }
0x27a: {  	v8 =	vld [tilespmem:s18+$0xFFFFFFF0]  }
0x27b: {  	v9 =	vld [tilespmem:s18+$0xFFFFFFE0]  }
0x27c: {  	v2 =	vld [tilespmem:s18+$0xFFFFFFD0]  }
0x27d: {  	[tilespmem:v3+s7+$0x0] =	vst.idx.add.s32.msk $0xffff, v1  }
0x27e: {  	[tilespmem:v4+s7+$0x0] =	vst.idx.add.s32.msk $0xffff, v1  }
0x27f: {  	[tilespmem:v5+s7+$0x0] =	vst.idx.add.s32.msk $0xffff, v1  }
0x280: {  	[tilespmem:v6+s7+$0x0] =	vst.idx.add.s32.msk $0xffff, v1  }
0x281: {  	[tilespmem:v7+s7+$0x0] =	vst.idx.add.s32.msk $0xffff, v1  }
0x282: {  	[tilespmem:v8+s7+$0x0] =	vst.idx.add.s32.msk $0xffff, v1  }
0x283: {  	s19 =	simm.s32 $0x0;
	[tilespmem:v9+s7+$0x0] =	vst.idx.add.s32.msk $0xffff, v1  }
.LBB2_32:
0x284: {  	s19 =	sadd.s32 $0x8, s19;
	[tilespmem:v2+s7+$0x0] =	vst.idx.add.s32.msk $0xffff, v1;
	s18 =	sadd.s32 $0x80, s18  }
0x285: {  	v3 =	vld [tilespmem:s18+$0xFFFFFFC0];
	p0 =	slt.u32 s19, $0x3F8  }
0x286: {  	v4 =	vld [tilespmem:s18+$0x30]  }
0x287: {  	v5 =	vld [tilespmem:s18+$0x20]  }
0x288: {  	v6 =	vld [tilespmem:s18+$0x10]  }
0x289: {  	v7 =	vld [tilespmem:s18+$0x0]  }
0x28a: {  	v8 =	vld [tilespmem:s18+$0xFFFFFFF0]  }
0x28b: {  	v9 =	vld [tilespmem:s18+$0xFFFFFFE0]  }
0x28c: {  	v2 =	vld [tilespmem:s18+$0xFFFFFFD0]  }
0x28d: {  	[tilespmem:v3+s7+$0x0] =	vst.idx.add.s32.msk $0xffff, v1  }
0x28e: {  	[tilespmem:v4+s7+$0x0] =	vst.idx.add.s32.msk $0xffff, v1  }
.Ltmp15:
0x28f: {  	[tilespmem:v5+s7+$0x0] =	vst.idx.add.s32.msk $0xffff, v1;
	(pc) =	sbr.rel @p0 .LBB2_32-.Ltmp15, $4  }
0x290: {  	[tilespmem:v6+s7+$0x0] =	vst.idx.add.s32.msk $0xffff, v1  }
0x291: {  	[tilespmem:v7+s7+$0x0] =	vst.idx.add.s32.msk $0xffff, v1  }
0x292: {  	[tilespmem:v8+s7+$0x0] =	vst.idx.add.s32.msk $0xffff, v1  }
0x293: {  	[tilespmem:v9+s7+$0x0] =	vst.idx.add.s32.msk $0xffff, v1  }
0x294: {  	_ =	sdelay $0x3  }
0x295: {  	[tilespmem:v2+s7+$0x0] =	vst.idx.add.s32.msk $0xffff, v1  }
0x296: {  	_ =	swait.ge [sflag:s8], $0x4000  }
0x297: {  	[sflag:s8] =	ssyncset.done $0x0  }
0x298: {  	s18 =	simm.s32 $0x4040;
	[sflag:s8] =	ssyncadd.s32 $0xFFFFC000  }
0x299: {  	v3 =	vld [tilespmem:s18+$0xFFFFFFC0]  }
0x29a: {  	v4 =	vld [tilespmem:s18+$0x30]  }
0x29b: {  	v5 =	vld [tilespmem:s18+$0x20]  }
0x29c: {  	v6 =	vld [tilespmem:s18+$0x10]  }
0x29d: {  	v7 =	vld [tilespmem:s18+$0x0]  }
0x29e: {  	v8 =	vld [tilespmem:s18+$0xFFFFFFF0]  }
0x29f: {  	v9 =	vld [tilespmem:s18+$0xFFFFFFE0]  }
0x2a0: {  	v2 =	vld [tilespmem:s18+$0xFFFFFFD0]  }
0x2a1: {  	[tilespmem:v3+s7+$0x0] =	vst.idx.add.s32.msk $0xffff, v1  }
0x2a2: {  	[tilespmem:v4+s7+$0x0] =	vst.idx.add.s32.msk $0xffff, v1  }
0x2a3: {  	[tilespmem:v5+s7+$0x0] =	vst.idx.add.s32.msk $0xffff, v1  }
0x2a4: {  	[tilespmem:v6+s7+$0x0] =	vst.idx.add.s32.msk $0xffff, v1  }
0x2a5: {  	[tilespmem:v7+s7+$0x0] =	vst.idx.add.s32.msk $0xffff, v1  }
0x2a6: {  	[tilespmem:v8+s7+$0x0] =	vst.idx.add.s32.msk $0xffff, v1  }
0x2a7: {  	s19 =	simm.s32 $0x0;
	[tilespmem:v9+s7+$0x0] =	vst.idx.add.s32.msk $0xffff, v1  }
.LBB2_34:
0x2a8: {  	s19 =	sadd.s32 $0x8, s19;
	[tilespmem:v2+s7+$0x0] =	vst.idx.add.s32.msk $0xffff, v1;
	s18 =	sadd.s32 $0x80, s18  }
0x2a9: {  	v3 =	vld [tilespmem:s18+$0xFFFFFFC0];
	p0 =	slt.u32 s19, $0x3F8  }
0x2aa: {  	v4 =	vld [tilespmem:s18+$0x30]  }
0x2ab: {  	v5 =	vld [tilespmem:s18+$0x20]  }
0x2ac: {  	v6 =	vld [tilespmem:s18+$0x10]  }
0x2ad: {  	v7 =	vld [tilespmem:s18+$0x0]  }
0x2ae: {  	v8 =	vld [tilespmem:s18+$0xFFFFFFF0]  }
0x2af: {  	v9 =	vld [tilespmem:s18+$0xFFFFFFE0]  }
0x2b0: {  	v2 =	vld [tilespmem:s18+$0xFFFFFFD0]  }
0x2b1: {  	[tilespmem:v3+s7+$0x0] =	vst.idx.add.s32.msk $0xffff, v1  }
0x2b2: {  	[tilespmem:v4+s7+$0x0] =	vst.idx.add.s32.msk $0xffff, v1  }
.Ltmp16:
0x2b3: {  	[tilespmem:v5+s7+$0x0] =	vst.idx.add.s32.msk $0xffff, v1;
	(pc) =	sbr.rel @p0 .LBB2_34-.Ltmp16, $4  }
0x2b4: {  	[tilespmem:v6+s7+$0x0] =	vst.idx.add.s32.msk $0xffff, v1  }
0x2b5: {  	[tilespmem:v7+s7+$0x0] =	vst.idx.add.s32.msk $0xffff, v1  }
0x2b6: {  	[tilespmem:v8+s7+$0x0] =	vst.idx.add.s32.msk $0xffff, v1  }
0x2b7: {  	[tilespmem:v9+s7+$0x0] =	vst.idx.add.s32.msk $0xffff, v1  }
0x2b8: {  	_ =	sdelay $0x3  }
0x2b9: {  	[tilespmem:v2+s7+$0x0] =	vst.idx.add.s32.msk $0xffff, v1  }
0x2ba: {  	[hbm4b:s26+s1] =	stream.linear.scatter [tilespmem:s7], [sflag:$0x3], $0x2000, $0x38;
	[tilespmem:$0x18000] =	vst v63  }
0x2bb: {  	_ = 	snop  }
0x2bc: {  	[hbm4b:s28+s1] =	stream.linear.scatter [tilespmem:s9], [sflag:$0x3], $0x2000, $0x38;
	[tilespmem:$0x18000] =	vst v63  }
0x2bd: {  	_ = 	snop  }
0x2be: {  	[hbm4b:s30+s1] =	stream.linear.scatter [tilespmem:s10], [sflag:$0x3], $0x2000, $0x38;
	[tilespmem:$0x18000] =	vst v63  }
0x2bf: {  	_ = 	snop  }
0x2c0: {  	[hbm4b:s31+s1] =	stream.linear.scatter [tilespmem:s11], [sflag:$0x3], $0x2000, $0x38;
	[tilespmem:$0x18000] =	vst v63  }
0x2c1: {  	_ = 	snop  }
0x2c2: {  	[hbm4b:s29+s1] =	stream.linear.scatter [tilespmem:s12], [sflag:$0x3], $0x2000, $0x38;
	[tilespmem:$0x18000] =	vst v63  }
0x2c3: {  	_ = 	snop  }
0x2c4: {  	[hbm4b:s0+s1] =	stream.linear.scatter [tilespmem:s13], [sflag:$0x3], $0x2000, $0x38;
	[tilespmem:$0x18000] =	vst v63  }
0x2c5: {  	_ = 	snop  }
0x2c6: {  	[hbm4b:s2+s1] =	stream.linear.scatter [tilespmem:s14], [sflag:$0x3], $0x2000, $0x38;
	[tilespmem:$0x18000] =	vst v63  }
0x2c7: {  	_ = 	snop  }
0x2c8: {  	[hbm4b:s3+s1] =	stream.linear.scatter [tilespmem:s15], [sflag:$0x3], $0x2000, $0x38;
	[tilespmem:$0x18000] =	vst v63  }
0x2c9: {  	_ =	swait.ge [sflag:s16], $0x2000  }
0x2ca: {  	[sflag:s16] =	ssyncset.done $0x0  }
0x2cb: {  	[sflag:s16] =	ssyncadd.s32 $0xFFFFE000  }
0x2cc: {  	_ =	swait.ge [sflag:s16], $0x2000  }
0x2cd: {  	[sflag:s16] =	ssyncset.done $0x0  }
0x2ce: {  	[sflag:s16] =	ssyncadd.s32 $0xFFFFE000  }
0x2cf: {  	_ =	swait.ge [sflag:s16], $0x2000  }
0x2d0: {  	[sflag:s16] =	ssyncset.done $0x0  }
0x2d1: {  	[sflag:s16] =	ssyncadd.s32 $0xFFFFE000  }
0x2d2: {  	_ =	swait.ge [sflag:s16], $0x2000  }
0x2d3: {  	[sflag:s16] =	ssyncset.done $0x0  }
0x2d4: {  	[sflag:s16] =	ssyncadd.s32 $0xFFFFE000  }
0x2d5: {  	_ =	swait.ge [sflag:s16], $0x2000  }
0x2d6: {  	[sflag:s16] =	ssyncset.done $0x0  }
0x2d7: {  	[sflag:s16] =	ssyncadd.s32 $0xFFFFE000  }
0x2d8: {  	_ =	swait.ge [sflag:s16], $0x2000  }
0x2d9: {  	[sflag:s16] =	ssyncset.done $0x0  }
0x2da: {  	s17 =	sadd.s32 $0x1, s17;
	[sflag:s16] =	ssyncadd.s32 $0xFFFFE000  }
0x2db: {  	p0 =	sne.s32 s17, s4;
	_ =	swait.ge [sflag:s16], $0x2000  }
.Ltmp17:
0x2dc: {  	[sflag:s16] =	ssyncset.done $0x0;
	(pc) =	sbr.rel @p0 .LBB2_1-.Ltmp17, $4  }
0x2dd: {  	[sflag:s16] =	ssyncadd.s32 $0xFFFFE000  }
0x2de: {  	_ =	swait.ge [sflag:s16], $0x2000  }
0x2df: {  	[sflag:s16] =	ssyncset.done $0x0  }
0x2e0: {  	[sflag:s16] =	ssyncadd.s32 $0xFFFFE000  }
0x2e1: {  	_ =	sfence.sel $0x180000  }
0x2e2: {  	[bflag:$0x0] =	sbarrier.arrive $0xFFFF  }
0x2e3: {  	_ =	strace $0x90000047  }
0x2e4: {  	s0 =	stileid.u32;
	[bflag:$0x2] =	sbarrier.arrive $0xFFFF  }
0x2e5: {  	p0 =	sne.s32 s0, $0x0;
	s0 =	rddreg [dreg:$0x3]  }
0x2e6: {  	s0 =	sadd.s32 @!p0 $0x100000, s0  }
0x2e7: {  	[sflag:s0] =	ssyncadd.tile.s32 @!p0 $0x1;
	_ =	shalt  }
.Lfunc_end2:
_tile_overlayer_lowered:
.L_overlay_start_2:
0x2e8: {  	(tag) =	ssettag $0x2  }
0x2e9: {  	s0 =	rddreg [dreg:$0x0];
	s2 =	stileid.u32  }
0x2ea: {  	s1 =	rddreg [dreg:$0x1];
	p0 =	sne.s32 s2, $0x0  }
0x2eb: {  	s3 =	rddreg [dreg:$0x2];
	[bflag:$0x3] =	sbarrier.arrive $0xFFFF;
	s2 =	simm.s32 @!p0 $0x1C04  }
0x2ec: {  	[timem:s3], [sflag:s2] =	dma.local @!p0 [hbm:s0], s1  }
0x2ed: {  	s0 =	simm.s32 @!p0 $0x4  }
0x2ee: {  	_ =	swait.ge @!p0 [sflag:s0], s1  }
0x2ef: {  	s1 =	ssub.s32 @!p0 $0x0, s1;
	[sflag:s0] =	ssyncset.done @!p0 $0x0  }
0x2f0: {  	[sflag:s0] =	ssyncadd.s32 @!p0 s1  }
0x2f1: {  	[bflag:$0x3] =	sbarrier.arrive $0xFFFF  }
0x2f2: {  	_ =	shalt  }

</sc_bundles>
